<compile_context>
chip_gen: v7x
topology: tpu7x:2x2x1
jax: 0.10.2.dev20260603
libtpu: 0.0.44.dev20260713+nightly
codegen_flags: <defaults>
</compile_context>

<pallas_src>
import functools

import jax
import jax.numpy as jnp
from jax import lax
from jax.experimental import pallas as pl
from jax.experimental.pallas import tpu as pltpu, tpu_sc as plsc

N_NODES = 10000
N_EDGES = 320000
D_FEAT = 128
HIDDEN = 32
DENSE = 512
NUM_CLASSES = 10
NUM_GRAPHS = 16

NC = 2
NS = 16
NW = NC * NS

CHUNK = 128
KBUF = 5
EPW = 10240
E_PAD = EPW * NW
NCHUNK = EPW // CHUNK
RPT = 632
NPAD = RPT * NS



def _mm_body(x_ref, w_ref, b_ref, ei_ref, o_ref, ei_out_ref):
    res = (jnp.dot(x_ref[...], w_ref[...], preferred_element_type=jnp.float32)
           + b_ref[...])
    o_ref[...] = jnp.concatenate(
        [res, jnp.zeros((NPAD - N_NODES, HIDDEN), jnp.float32)], axis=0)
    ei_out_ref[...] = jnp.concatenate(
        [ei_ref[...],
         jnp.full((2, E_PAD - N_EDGES), N_NODES, jnp.int32)], axis=1)


def _matmul(x, W1, b1, ei):
    return pl.pallas_call(
        _mm_body,
        out_shape=(jax.ShapeDtypeStruct((NPAD, HIDDEN), jnp.float32),
                   jax.ShapeDtypeStruct((2, E_PAD), jnp.int32)),
    )(x, W1, b1.reshape(1, HIDDEN), ei)



def _sc_body(src_hbm, dst_hbm, h_hbm, zeros_hbm, out_hbm,
             sidx_v, didx_v, bufs, slab_v, slab2_v, h_sh, agg_sh, semg, sems):
    c = lax.axis_index("c")
    s = lax.axis_index("s")
    wid = c * NS + s
    sl = pl.ds(s * RPT, RPT)

    cp_h = pltpu.async_copy(h_hbm.at[sl], slab_v, semg[0])
    cp_z = pltpu.async_copy(zeros_hbm.at[sl], slab2_v, semg[1])
    cp_s = pltpu.async_copy(src_hbm.at[wid], sidx_v, semg[2])
    cp_d = pltpu.async_copy(dst_hbm.at[wid], didx_v, semg[3])
    cp_h.wait()
    cp_h2 = pltpu.async_copy(slab_v, h_sh.at[sl], semg[0])
    cp_z.wait()
    cp_z2 = pltpu.async_copy(slab2_v, agg_sh.at[sl], semg[1])
    cp_s.wait()
    cp_d.wait()
    cp_h2.wait()
    cp_z2.wait()
    plsc.subcore_barrier()

    def gather(j, b):
        return pltpu.async_copy(h_sh.at[sidx_v.at[j]], bufs[b], semg[b])

    def wait_gather(b):
        pltpu.make_async_copy(h_sh.at[sidx_v.at[0]], bufs[b],
                              semg[b]).wait()

    for b in range(KBUF):
        gather(b, b)

    def group(g, carry):
        base = g * KBUF
        sc = []
        for b in range(KBUF):
            wait_gather(b)
            sc.append(pltpu.async_copy(
                bufs[b], agg_sh.at[didx_v.at[base + b]], sems[b], add=True))
        for b in range(KBUF):
            sc[b].wait()
            gather(lax.rem(base + KBUF + b, NCHUNK), b)
        return carry

    lax.fori_loop(0, NCHUNK // KBUF, group, 0)
    for b in range(KBUF):
        wait_gather(b)
    plsc.subcore_barrier()
    half = RPT // 2
    lo = s * RPT
    olo = c * NPAD + s * RPT
    cp1 = pltpu.async_copy(agg_sh.at[pl.ds(lo, half)],
                           slab_v.at[pl.ds(0, half)], semg[0])
    cp2 = pltpu.async_copy(agg_sh.at[pl.ds(lo + half, half)],
                           slab2_v.at[pl.ds(0, half)], semg[1])
    cp1.wait()
    cp3 = pltpu.async_copy(slab_v.at[pl.ds(0, half)],
                           out_hbm.at[pl.ds(olo, half)], semg[0])
    cp2.wait()
    cp4 = pltpu.async_copy(slab2_v.at[pl.ds(0, half)],
                           out_hbm.at[pl.ds(olo + half, half)], semg[1])
    cp3.wait()
    cp4.wait()


@functools.partial(
    pl.kernel,
    out_type=jax.ShapeDtypeStruct((NC * NPAD, HIDDEN), jnp.float32),
    mesh=plsc.VectorSubcoreMesh(core_axis_name="c", subcore_axis_name="s"),
    compiler_params=pltpu.CompilerParams(use_tc_tiling_on_sc=False),
    scratch_types=[
        pltpu.VMEM((NCHUNK, CHUNK), jnp.int32),
        pltpu.VMEM((NCHUNK, CHUNK), jnp.int32),
        *([pltpu.VMEM((CHUNK, HIDDEN), jnp.float32)] * KBUF),
        pltpu.VMEM((RPT, HIDDEN), jnp.float32),
        pltpu.VMEM((RPT, HIDDEN), jnp.float32),
        pltpu.VMEM_SHARED((NPAD, HIDDEN), jnp.float32),
        pltpu.VMEM_SHARED((NPAD, HIDDEN), jnp.float32),
        *([pltpu.SemaphoreType.DMA] * (2 * KBUF)),
    ],
)
def _sc_aggregate(src_hbm, dst_hbm, h_hbm, zeros_hbm, out_hbm,
                  sidx_v, didx_v, *rest):
    bufs = list(rest[:KBUF])
    slab_v, slab2_v, h_sh, agg_sh = rest[KBUF:KBUF + 4]
    allsems = rest[KBUF + 4:]
    _sc_body(src_hbm, dst_hbm, h_hbm, zeros_hbm, out_hbm,
             sidx_v, didx_v, bufs, slab_v, slab2_v, h_sh, agg_sh,
             allsems[:KBUF], allsems[KBUF:])



def _post_body(aggp_ref, ind_ref, w2_ref, b2_ref, wc_ref, bc_ref, o_ref):
    a = jnp.maximum(aggp_ref[0, :N_NODES] + aggp_ref[1, :N_NODES], 0.0)
    gids = lax.broadcasted_iota(jnp.int32, (NUM_GRAPHS, N_NODES), 0)
    m = (ind_ref[...] == gids).astype(jnp.float32)
    pooled = jnp.dot(m, a, preferred_element_type=jnp.float32)
    z = jnp.maximum(
        jnp.dot(pooled, w2_ref[...], preferred_element_type=jnp.float32)
        + b2_ref[...], 0.0)
    logits = (jnp.dot(z, wc_ref[...], preferred_element_type=jnp.float32)
              + bc_ref[...])
    mx = jnp.max(logits, axis=-1, keepdims=True)
    e = jnp.exp(logits - mx)
    o_ref[...] = e / jnp.sum(e, axis=-1, keepdims=True)


def _post(agg_pair, ind_p, W2, b2, Wc, bc):
    return pl.pallas_call(
        _post_body,
        out_shape=jax.ShapeDtypeStruct((NUM_GRAPHS, NUM_CLASSES), jnp.float32),
    )(agg_pair, ind_p, W2, b2.reshape(1, DENSE), Wc, bc.reshape(1, NUM_CLASSES))



def kernel(edge_index, x, node_indicator, W1, b1, W2, b2, Wc, bc):
    h, ei = _matmul(x, W1, b1, edge_index.astype(jnp.int32))
    ei = ei.reshape(2, NW, NCHUNK, CHUNK)

    zeros = jnp.zeros((NPAD, HIDDEN), jnp.float32)
    agg_pair = _sc_aggregate(ei[0], ei[1], h, zeros).reshape(NC, NPAD, HIDDEN)

    ind_p = node_indicator.astype(jnp.int32).reshape(1, N_NODES)
    return _post(agg_pair, ind_p, W2, b2, Wc, bc)

# --- scband reference (transcript-rebuilt; emitter-appended) ---
"""Pipeline reference for scband-gcn32-diff-56444460204491 (READ-ONLY COPY).

The authoritative reference and input builder live on the scoring server;
editing this copy changes nothing except your own understanding.
"""

import jax, jax.numpy as jnp
import numpy as np

N_NODES = 10000
N_EDGES = 320000
D_FEAT = 128
HIDDEN = 32
DENSE = 512
NUM_CLASSES = 10
NUM_GRAPHS = 16


def setup_inputs(seed: int = 0) -> dict:
    key = jax.random.key(seed)
    k = jax.random.split(key, 10)
    edge_index = jax.random.randint(k[0], (2, N_EDGES), 0, N_NODES, dtype=jnp.int64)
    x = jax.random.normal(k[1], (N_NODES, D_FEAT), dtype=jnp.float32)
    node_indicator = jnp.sort(jax.random.randint(k[2], (N_NODES,), 0, NUM_GRAPHS, dtype=jnp.int64))
    # GCN layer (features=32) weights
    W1 = jax.random.normal(k[3], (D_FEAT, HIDDEN), dtype=jnp.float32) * (1.0 / np.sqrt(D_FEAT))
    b1 = jnp.zeros((HIDDEN,), dtype=jnp.float32)
    # Dense(512, relu)
    W2 = jax.random.normal(k[4], (HIDDEN, DENSE), dtype=jnp.float32) * (1.0 / np.sqrt(HIDDEN))
    b2 = jnp.zeros((DENSE,), dtype=jnp.float32)
    # classifier Dense(num_classes, softmax)
    Wc = jax.random.normal(k[5], (DENSE, NUM_CLASSES), dtype=jnp.float32) * (1.0 / np.sqrt(DENSE))
    bc = jnp.zeros((NUM_CLASSES,), dtype=jnp.float32)
    return {"edge_index": edge_index, "x": x, "node_indicator": node_indicator,
            "W1": W1, "b1": b1, "W2": W2, "b2": b2, "Wc": Wc, "bc": bc}


def reference(edge_index, x, node_indicator, W1, b1, W2, b2, Wc, bc):
    # GCN(features=32): linear transform then neighborhood aggregation over the
    # graph structure ('filtre'), ReLU activation. Dropout skipped (inference).
    h = x @ W1 + b1                                   # [N, 32]
    src = edge_index[0]
    dst = edge_index[1]
    msgs = jnp.take(h, src, axis=0)                   # gather  [E, 32]
    agg = jax.ops.segment_sum(msgs, dst, num_segments=N_NODES)  # scatter-add [N, 32]
    h = jax.nn.relu(agg)
    # DiffPool(max_clusters=1): softmax assignment over a single cluster is
    # identically 1, so pooling collapses each graph to the sum of its node
    # features: X' = S^T X (per graph). Returns (A', X'); forward uses x[1].
    pooled = jax.ops.segment_sum(h, node_indicator, num_segments=NUM_GRAPHS)  # [B, 32]
    z = jax.nn.relu(pooled @ W2 + b2)                 # Dense(512, relu)
    logits = z @ Wc + bc
    out = jax.nn.softmax(logits, axis=-1)             # Dense(num_classes, softmax)
    return out

if __name__ == "__main__":
    import jax
    _d = setup_inputs()
    print(jax.jit(kernel)(*tuple(_d.values())))

</pallas_src>

<mosaic_0001>
#map = affine_map<(d0, d1) -> (0, 0, 0)>
#map1 = affine_map<(d0, d1) -> (0, 0)>
module attributes {stable_mosaic.version = 14 : i64} {
  func.func @_sc_aggregate(%arg0: i32, %arg1: i32, %arg2: memref<32x80x128xi32, #tpu.memory_space<hbm>>, %arg3: memref<32x80x128xi32, #tpu.memory_space<hbm>>, %arg4: memref<10112x32xf32, #tpu.memory_space<hbm>>, %arg5: memref<10112x32xf32, #tpu.memory_space<hbm>>, %arg6: memref<20224x32xf32, #tpu.memory_space<hbm>>, %arg7: memref<80x128xi32, #tpu.memory_space<vmem>>, %arg8: memref<80x128xi32, #tpu.memory_space<vmem>>, %arg9: memref<128x32xf32, #tpu.memory_space<vmem>>, %arg10: memref<128x32xf32, #tpu.memory_space<vmem>>, %arg11: memref<128x32xf32, #tpu.memory_space<vmem>>, %arg12: memref<128x32xf32, #tpu.memory_space<vmem>>, %arg13: memref<128x32xf32, #tpu.memory_space<vmem>>, %arg14: memref<632x32xf32, #tpu.memory_space<vmem>>, %arg15: memref<632x32xf32, #tpu.memory_space<vmem>>, %arg16: memref<10112x32xf32, #tpu.memory_space<vmem_shared>>, %arg17: memref<10112x32xf32, #tpu.memory_space<vmem_shared>>, %arg18: memref<!tpu.dma_semaphore, #tpu.memory_space<semaphore_mem>>, %arg19: memref<!tpu.dma_semaphore, #tpu.memory_space<semaphore_mem>>, %arg20: memref<!tpu.dma_semaphore, #tpu.memory_space<semaphore_mem>>, %arg21: memref<!tpu.dma_semaphore, #tpu.memory_space<semaphore_mem>>, %arg22: memref<!tpu.dma_semaphore, #tpu.memory_space<semaphore_mem>>, %arg23: memref<!tpu.dma_semaphore, #tpu.memory_space<semaphore_mem>>, %arg24: memref<!tpu.dma_semaphore, #tpu.memory_space<semaphore_mem>>, %arg25: memref<!tpu.dma_semaphore, #tpu.memory_space<semaphore_mem>>, %arg26: memref<!tpu.dma_semaphore, #tpu.memory_space<semaphore_mem>>, %arg27: memref<!tpu.dma_semaphore, #tpu.memory_space<semaphore_mem>>) attributes {dimension_semantics = [#tpu.dimension_semantics<core_parallel>, #tpu.dimension_semantics<subcore_parallel>], iteration_bounds = array<i64: 2, 16>, scalar_prefetch = 0 : i64, scratch_operands = 21 : i64, tpu.core_type = #tpu.core_type<sc_vector_subcore>, window_params = [{transform_indices = #map}, {transform_indices = #map}, {transform_indices = #map1}, {transform_indices = #map1}, {transform_indices = #map1}]} {
    %mul3A = arith.constant 16 : i32
    %mul3A_0 = arith.muli %arg0, %mul3A : i32
    %add3A = arith.addi %mul3A_0, %arg1 : i32
    %mul3A_1 = arith.constant 632 : i32
    %mul3A_2 = arith.muli %arg1, %mul3A_1 : i32
    %dma_start3A = arith.constant 0 : i32
    %dma_start3A_3 = tpu.memref_slice %arg4[%mul3A_2, %dma_start3A] : memref<10112x32xf32, #tpu.memory_space<hbm>> -> memref<632x32xf32, #tpu.memory_space<hbm>>
    %dma_start3A_4 = arith.constant 0 : i32
    %dma_start3A_5 = tpu.memref_slice %arg4[%mul3A_2, %dma_start3A_4] : memref<10112x32xf32, #tpu.memory_space<hbm>> -> memref<632x32xf32, #tpu.memory_space<hbm>>
    tpu.enqueue_dma source(%dma_start3A_5 : memref<632x32xf32, #tpu.memory_space<hbm>>) target(%arg14 : memref<632x32xf32, #tpu.memory_space<vmem>>) target_semaphore(%arg18 : memref<!tpu.dma_semaphore, #tpu.memory_space<semaphore_mem>>)
    %dma_start3A_6 = arith.constant 0 : i32
    %dma_start3A_7 = tpu.memref_slice %arg5[%mul3A_2, %dma_start3A_6] : memref<10112x32xf32, #tpu.memory_space<hbm>> -> memref<632x32xf32, #tpu.memory_space<hbm>>
    %dma_start3A_8 = arith.constant 0 : i32
    %dma_start3A_9 = tpu.memref_slice %arg5[%mul3A_2, %dma_start3A_8] : memref<10112x32xf32, #tpu.memory_space<hbm>> -> memref<632x32xf32, #tpu.memory_space<hbm>>
    tpu.enqueue_dma source(%dma_start3A_9 : memref<632x32xf32, #tpu.memory_space<hbm>>) target(%arg15 : memref<632x32xf32, #tpu.memory_space<vmem>>) target_semaphore(%arg19 : memref<!tpu.dma_semaphore, #tpu.memory_space<semaphore_mem>>)
    %dma_start3A_10 = arith.constant 0 : i32
    %dma_start3A_11 = arith.constant 0 : i32
    %dma_start3A_12 = tpu.memref_slice %arg2[%add3A, %dma_start3A_10, %dma_start3A_11] : memref<32x80x128xi32, #tpu.memory_space<hbm>> -> memref<1x80x128xi32, #tpu.memory_space<hbm>>
    %dma_start3A_13 = tpu.memref_squeeze %dma_start3A_12 : memref<1x80x128xi32, #tpu.memory_space<hbm>> -> memref<80x128xi32, #tpu.memory_space<hbm>>
    %dma_start3A_14 = arith.constant 0 : i32
    %dma_start3A_15 = arith.constant 0 : i32
    %dma_start3A_16 = tpu.memref_slice %arg2[%add3A, %dma_start3A_14, %dma_start3A_15] : memref<32x80x128xi32, #tpu.memory_space<hbm>> -> memref<1x80x128xi32, #tpu.memory_space<hbm>>
    %dma_start3A_17 = tpu.memref_squeeze %dma_start3A_16 : memref<1x80x128xi32, #tpu.memory_space<hbm>> -> memref<80x128xi32, #tpu.memory_space<hbm>>
    tpu.enqueue_dma source(%dma_start3A_17 : memref<80x128xi32, #tpu.memory_space<hbm>>) target(%arg7 : memref<80x128xi32, #tpu.memory_space<vmem>>) target_semaphore(%arg20 : memref<!tpu.dma_semaphore, #tpu.memory_space<semaphore_mem>>)
    %dma_start3A_18 = arith.constant 0 : i32
    %dma_start3A_19 = arith.constant 0 : i32
    %dma_start3A_20 = tpu.memref_slice %arg3[%add3A, %dma_start3A_18, %dma_start3A_19] : memref<32x80x128xi32, #tpu.memory_space<hbm>> -> memref<1x80x128xi32, #tpu.memory_space<hbm>>
    %dma_start3A_21 = tpu.memref_squeeze %dma_start3A_20 : memref<1x80x128xi32, #tpu.memory_space<hbm>> -> memref<80x128xi32, #tpu.memory_space<hbm>>
    %dma_start3A_22 = arith.constant 0 : i32
    %dma_start3A_23 = arith.constant 0 : i32
    %dma_start3A_24 = tpu.memref_slice %arg3[%add3A, %dma_start3A_22, %dma_start3A_23] : memref<32x80x128xi32, #tpu.memory_space<hbm>> -> memref<1x80x128xi32, #tpu.memory_space<hbm>>
    %dma_start3A_25 = tpu.memref_squeeze %dma_start3A_24 : memref<1x80x128xi32, #tpu.memory_space<hbm>> -> memref<80x128xi32, #tpu.memory_space<hbm>>
    tpu.enqueue_dma source(%dma_start3A_25 : memref<80x128xi32, #tpu.memory_space<hbm>>) target(%arg8 : memref<80x128xi32, #tpu.memory_space<vmem>>) target_semaphore(%arg21 : memref<!tpu.dma_semaphore, #tpu.memory_space<semaphore_mem>>)
    %dma_wait3A = arith.constant 0 : i32
    %dma_wait3A_26 = tpu.memref_slice %arg4[%mul3A_2, %dma_wait3A] : memref<10112x32xf32, #tpu.memory_space<hbm>> -> memref<632x32xf32, #tpu.memory_space<hbm>>
    %dma_wait3A_27 = arith.constant 0 : i32
    %dma_wait3A_28 = tpu.memref_slice %arg4[%mul3A_2, %dma_wait3A_27] : memref<10112x32xf32, #tpu.memory_space<hbm>> -> memref<632x32xf32, #tpu.memory_space<hbm>>
    tpu.wait_dma2 semaphore(%arg18 : memref<!tpu.dma_semaphore, #tpu.memory_space<semaphore_mem>>) src(%dma_wait3A_28 : memref<632x32xf32, #tpu.memory_space<hbm>>) dst(%arg14 : memref<632x32xf32, #tpu.memory_space<vmem>>)
    %dma_start3A_29 = arith.constant 0 : i32
    %dma_start3A_30 = tpu.memref_slice %arg16[%mul3A_2, %dma_start3A_29] : memref<10112x32xf32, #tpu.memory_space<vmem_shared>> -> memref<632x32xf32, #tpu.memory_space<vmem_shared>>
    %dma_start3A_31 = arith.constant 0 : i32
    %dma_start3A_32 = tpu.memref_slice %arg16[%mul3A_2, %dma_start3A_31] : memref<10112x32xf32, #tpu.memory_space<vmem_shared>> -> memref<632x32xf32, #tpu.memory_space<vmem_shared>>
    tpu.enqueue_dma source(%arg14 : memref<632x32xf32, #tpu.memory_space<vmem>>) target(%dma_start3A_32 : memref<632x32xf32, #tpu.memory_space<vmem_shared>>) target_semaphore(%arg18 : memref<!tpu.dma_semaphore, #tpu.memory_space<semaphore_mem>>)
    %dma_wait3A_33 = arith.constant 0 : i32
    %dma_wait3A_34 = tpu.memref_slice %arg5[%mul3A_2, %dma_wait3A_33] : memref<10112x32xf32, #tpu.memory_space<hbm>> -> memref<632x32xf32, #tpu.memory_space<hbm>>
    %dma_wait3A_35 = arith.constant 0 : i32
    %dma_wait3A_36 = tpu.memref_slice %arg5[%mul3A_2, %dma_wait3A_35] : memref<10112x32xf32, #tpu.memory_space<hbm>> -> memref<632x32xf32, #tpu.memory_space<hbm>>
    tpu.wait_dma2 semaphore(%arg19 : memref<!tpu.dma_semaphore, #tpu.memory_space<semaphore_mem>>) src(%dma_wait3A_36 : memref<632x32xf32, #tpu.memory_space<hbm>>) dst(%arg15 : memref<632x32xf32, #tpu.memory_space<vmem>>)
    %dma_start3A_37 = arith.constant 0 : i32
    %dma_start3A_38 = tpu.memref_slice %arg17[%mul3A_2, %dma_start3A_37] : memref<10112x32xf32, #tpu.memory_space<vmem_shared>> -> memref<632x32xf32, #tpu.memory_space<vmem_shared>>
    %dma_start3A_39 = arith.constant 0 : i32
    %dma_start3A_40 = tpu.memref_slice %arg17[%mul3A_2, %dma_start3A_39] : memref<10112x32xf32, #tpu.memory_space<vmem_shared>> -> memref<632x32xf32, #tpu.memory_space<vmem_shared>>
    tpu.enqueue_dma source(%arg15 : memref<632x32xf32, #tpu.memory_space<vmem>>) target(%dma_start3A_40 : memref<632x32xf32, #tpu.memory_space<vmem_shared>>) target_semaphore(%arg19 : memref<!tpu.dma_semaphore, #tpu.memory_space<semaphore_mem>>)
    %dma_wait3A_41 = arith.constant 0 : i32
    %dma_wait3A_42 = arith.constant 0 : i32
    %dma_wait3A_43 = tpu.memref_slice %arg2[%add3A, %dma_wait3A_41, %dma_wait3A_42] : memref<32x80x128xi32, #tpu.memory_space<hbm>> -> memref<1x80x128xi32, #tpu.memory_space<hbm>>
    %dma_wait3A_44 = tpu.memref_squeeze %dma_wait3A_43 : memref<1x80x128xi32, #tpu.memory_space<hbm>> -> memref<80x128xi32, #tpu.memory_space<hbm>>
    %dma_wait3A_45 = arith.constant 0 : i32
    %dma_wait3A_46 = arith.constant 0 : i32
    %dma_wait3A_47 = tpu.memref_slice %arg2[%add3A, %dma_wait3A_45, %dma_wait3A_46] : memref<32x80x128xi32, #tpu.memory_space<hbm>> -> memref<1x80x128xi32, #tpu.memory_space<hbm>>
    %dma_wait3A_48 = tpu.memref_squeeze %dma_wait3A_47 : memref<1x80x128xi32, #tpu.memory_space<hbm>> -> memref<80x128xi32, #tpu.memory_space<hbm>>
    tpu.wait_dma2 semaphore(%arg20 : memref<!tpu.dma_semaphore, #tpu.memory_space<semaphore_mem>>) src(%dma_wait3A_48 : memref<80x128xi32, #tpu.memory_space<hbm>>) dst(%arg7 : memref<80x128xi32, #tpu.memory_space<vmem>>)
    %dma_wait3A_49 = arith.constant 0 : i32
    %dma_wait3A_50 = arith.constant 0 : i32
    %dma_wait3A_51 = tpu.memref_slice %arg3[%add3A, %dma_wait3A_49, %dma_wait3A_50] : memref<32x80x128xi32, #tpu.memory_space<hbm>> -> memref<1x80x128xi32, #tpu.memory_space<hbm>>
    %dma_wait3A_52 = tpu.memref_squeeze %dma_wait3A_51 : memref<1x80x128xi32, #tpu.memory_space<hbm>> -> memref<80x128xi32, #tpu.memory_space<hbm>>
    %dma_wait3A_53 = arith.constant 0 : i32
    %dma_wait3A_54 = arith.constant 0 : i32
    %dma_wait3A_55 = tpu.memref_slice %arg3[%add3A, %dma_wait3A_53, %dma_wait3A_54] : memref<32x80x128xi32, #tpu.memory_space<hbm>> -> memref<1x80x128xi32, #tpu.memory_space<hbm>>
    %dma_wait3A_56 = tpu.memref_squeeze %dma_wait3A_55 : memref<1x80x128xi32, #tpu.memory_space<hbm>> -> memref<80x128xi32, #tpu.memory_space<hbm>>
    tpu.wait_dma2 semaphore(%arg21 : memref<!tpu.dma_semaphore, #tpu.memory_space<semaphore_mem>>) src(%dma_wait3A_56 : memref<80x128xi32, #tpu.memory_space<hbm>>) dst(%arg8 : memref<80x128xi32, #tpu.memory_space<vmem>>)
    %dma_wait3A_57 = arith.constant 0 : i32
    %dma_wait3A_58 = tpu.memref_slice %arg16[%mul3A_2, %dma_wait3A_57] : memref<10112x32xf32, #tpu.memory_space<vmem_shared>> -> memref<632x32xf32, #tpu.memory_space<vmem_shared>>
    %dma_wait3A_59 = arith.constant 0 : i32
    %dma_wait3A_60 = tpu.memref_slice %arg16[%mul3A_2, %dma_wait3A_59] : memref<10112x32xf32, #tpu.memory_space<vmem_shared>> -> memref<632x32xf32, #tpu.memory_space<vmem_shared>>
    tpu.wait_dma2 semaphore(%arg18 : memref<!tpu.dma_semaphore, #tpu.memory_space<semaphore_mem>>) src(%arg14 : memref<632x32xf32, #tpu.memory_space<vmem>>) dst(%dma_wait3A_60 : memref<632x32xf32, #tpu.memory_space<vmem_shared>>)
    %dma_wait3A_61 = arith.constant 0 : i32
    %dma_wait3A_62 = tpu.memref_slice %arg17[%mul3A_2, %dma_wait3A_61] : memref<10112x32xf32, #tpu.memory_space<vmem_shared>> -> memref<632x32xf32, #tpu.memory_space<vmem_shared>>
    %dma_wait3A_63 = arith.constant 0 : i32
    %dma_wait3A_64 = tpu.memref_slice %arg17[%mul3A_2, %dma_wait3A_63] : memref<10112x32xf32, #tpu.memory_space<vmem_shared>> -> memref<632x32xf32, #tpu.memory_space<vmem_shared>>
    tpu.wait_dma2 semaphore(%arg19 : memref<!tpu.dma_semaphore, #tpu.memory_space<semaphore_mem>>) src(%arg15 : memref<632x32xf32, #tpu.memory_space<vmem>>) dst(%dma_wait3A_64 : memref<632x32xf32, #tpu.memory_space<vmem_shared>>)
    %barrier3A = arith.constant 0 : index
    tpu.barrier barrier_id(%barrier3A)
    %dma_start3A_65 = arith.constant 0 : i32
    %dma_start3A_66 = arith.constant 0 : i32
    %dma_start3A_67 = tpu.memref_slice %arg7[%dma_start3A_65, %dma_start3A_66] : memref<80x128xi32, #tpu.memory_space<vmem>> -> memref<1x128xi32, #tpu.memory_space<vmem>>
    %dma_start3A_68 = tpu.memref_squeeze %dma_start3A_67 : memref<1x128xi32, #tpu.memory_space<vmem>> -> memref<128xi32, #tpu.memory_space<vmem>>
    %dma_start3A_69 = arith.constant 0 : i32
    %dma_start3A_70 = arith.constant 0 : i32
    %dma_start3A_71 = tpu.memref_slice %arg16[%dma_start3A_69, %dma_start3A_70] : memref<10112x32xf32, #tpu.memory_space<vmem_shared>> -> memref<10112x32xf32, #tpu.memory_space<vmem_shared>>
    tpu.enqueue_indirect_dma source(%dma_start3A_71 : memref<10112x32xf32, #tpu.memory_space<vmem_shared>>) target(%arg9 : memref<128x32xf32, #tpu.memory_space<vmem>>) offsets(%dma_start3A_68 : memref<128xi32, #tpu.memory_space<vmem>>) semaphore(%arg18 : memref<!tpu.dma_semaphore, #tpu.memory_space<semaphore_mem>>)
    %dma_start3A_72 = arith.constant 1 : i32
    %dma_start3A_73 = arith.constant 0 : i32
    %dma_start3A_74 = tpu.memref_slice %arg7[%dma_start3A_72, %dma_start3A_73] : memref<80x128xi32, #tpu.memory_space<vmem>> -> memref<1x128xi32, #tpu.memory_space<vmem>>
    %dma_start3A_75 = tpu.memref_squeeze %dma_start3A_74 : memref<1x128xi32, #tpu.memory_space<vmem>> -> memref<128xi32, #tpu.memory_space<vmem>>
    %dma_start3A_76 = arith.constant 0 : i32
    %dma_start3A_77 = arith.constant 0 : i32
    %dma_start3A_78 = tpu.memref_slice %arg16[%dma_start3A_76, %dma_start3A_77] : memref<10112x32xf32, #tpu.memory_space<vmem_shared>> -> memref<10112x32xf32, #tpu.memory_space<vmem_shared>>
    tpu.enqueue_indirect_dma source(%dma_start3A_78 : memref<10112x32xf32, #tpu.memory_space<vmem_shared>>) target(%arg10 : memref<128x32xf32, #tpu.memory_space<vmem>>) offsets(%dma_start3A_75 : memref<128xi32, #tpu.memory_space<vmem>>) semaphore(%arg19 : memref<!tpu.dma_semaphore, #tpu.memory_space<semaphore_mem>>)
    %dma_start3A_79 = arith.constant 2 : i32
    %dma_start3A_80 = arith.constant 0 : i32
    %dma_start3A_81 = tpu.memref_slice %arg7[%dma_start3A_79, %dma_start3A_80] : memref<80x128xi32, #tpu.memory_space<vmem>> -> memref<1x128xi32, #tpu.memory_space<vmem>>
    %dma_start3A_82 = tpu.memref_squeeze %dma_start3A_81 : memref<1x128xi32, #tpu.memory_space<vmem>> -> memref<128xi32, #tpu.memory_space<vmem>>
    %dma_start3A_83 = arith.constant 0 : i32
    %dma_start3A_84 = arith.constant 0 : i32
    %dma_start3A_85 = tpu.memref_slice %arg16[%dma_start3A_83, %dma_start3A_84] : memref<10112x32xf32, #tpu.memory_space<vmem_shared>> -> memref<10112x32xf32, #tpu.memory_space<vmem_shared>>
    tpu.enqueue_indirect_dma source(%dma_start3A_85 : memref<10112x32xf32, #tpu.memory_space<vmem_shared>>) target(%arg11 : memref<128x32xf32, #tpu.memory_space<vmem>>) offsets(%dma_start3A_82 : memref<128xi32, #tpu.memory_space<vmem>>) semaphore(%arg20 : memref<!tpu.dma_semaphore, #tpu.memory_space<semaphore_mem>>)
    %dma_start3A_86 = arith.constant 3 : i32
    %dma_start3A_87 = arith.constant 0 : i32
    %dma_start3A_88 = tpu.memref_slice %arg7[%dma_start3A_86, %dma_start3A_87] : memref<80x128xi32, #tpu.memory_space<vmem>> -> memref<1x128xi32, #tpu.memory_space<vmem>>
    %dma_start3A_89 = tpu.memref_squeeze %dma_start3A_88 : memref<1x128xi32, #tpu.memory_space<vmem>> -> memref<128xi32, #tpu.memory_space<vmem>>
    %dma_start3A_90 = arith.constant 0 : i32
    %dma_start3A_91 = arith.constant 0 : i32
    %dma_start3A_92 = tpu.memref_slice %arg16[%dma_start3A_90, %dma_start3A_91] : memref<10112x32xf32, #tpu.memory_space<vmem_shared>> -> memref<10112x32xf32, #tpu.memory_space<vmem_shared>>
    tpu.enqueue_indirect_dma source(%dma_start3A_92 : memref<10112x32xf32, #tpu.memory_space<vmem_shared>>) target(%arg12 : memref<128x32xf32, #tpu.memory_space<vmem>>) offsets(%dma_start3A_89 : memref<128xi32, #tpu.memory_space<vmem>>) semaphore(%arg21 : memref<!tpu.dma_semaphore, #tpu.memory_space<semaphore_mem>>)
    %dma_start3A_93 = arith.constant 4 : i32
    %dma_start3A_94 = arith.constant 0 : i32
    %dma_start3A_95 = tpu.memref_slice %arg7[%dma_start3A_93, %dma_start3A_94] : memref<80x128xi32, #tpu.memory_space<vmem>> -> memref<1x128xi32, #tpu.memory_space<vmem>>
    %dma_start3A_96 = tpu.memref_squeeze %dma_start3A_95 : memref<1x128xi32, #tpu.memory_space<vmem>> -> memref<128xi32, #tpu.memory_space<vmem>>
    %dma_start3A_97 = arith.constant 0 : i32
    %dma_start3A_98 = arith.constant 0 : i32
    %dma_start3A_99 = tpu.memref_slice %arg16[%dma_start3A_97, %dma_start3A_98] : memref<10112x32xf32, #tpu.memory_space<vmem_shared>> -> memref<10112x32xf32, #tpu.memory_space<vmem_shared>>
    tpu.enqueue_indirect_dma source(%dma_start3A_99 : memref<10112x32xf32, #tpu.memory_space<vmem_shared>>) target(%arg13 : memref<128x32xf32, #tpu.memory_space<vmem>>) offsets(%dma_start3A_96 : memref<128xi32, #tpu.memory_space<vmem>>) semaphore(%arg22 : memref<!tpu.dma_semaphore, #tpu.memory_space<semaphore_mem>>)
    %scan3A = arith.constant 0 : i32
    %scan3A_100 = arith.constant 0 : i32
    %scan3A_101 = arith.constant 16 : i32
    %scan3A_102 = arith.addi %scan3A_100, %scan3A_101 : i32
    %scan3A_103 = arith.constant 1 : i32
    scf.for %scan3A_232 = %scan3A_100 to %scan3A_102 step %scan3A_103  : i32 {
      %mul3A_233 = arith.constant 5 : i32
      %mul3A_234 = arith.muli %scan3A_232, %mul3A_233 : i32
      %dma_wait3A_235 = arith.constant 0 : i32
      %dma_wait3A_236 = arith.constant 0 : i32
      %dma_wait3A_237 = tpu.memref_slice %arg7[%dma_wait3A_235, %dma_wait3A_236] : memref<80x128xi32, #tpu.memory_space<vmem>> -> memref<1x128xi32, #tpu.memory_space<vmem>>
      %dma_wait3A_238 = tpu.memref_squeeze %dma_wait3A_237 : memref<1x128xi32, #tpu.memory_space<vmem>> -> memref<128xi32, #tpu.memory_space<vmem>>
      %dma_wait3A_239 = arith.constant 0 : i32
      %dma_wait3A_240 = arith.constant 0 : i32
      %dma_wait3A_241 = tpu.memref_slice %arg16[%dma_wait3A_239, %dma_wait3A_240] : memref<10112x32xf32, #tpu.memory_space<vmem_shared>> -> memref<10112x32xf32, #tpu.memory_space<vmem_shared>>
      tpu.wait_indirect_dma semaphore(%arg18 : memref<!tpu.dma_semaphore, #tpu.memory_space<semaphore_mem>>) src(%dma_wait3A_241 : memref<10112x32xf32, #tpu.memory_space<vmem_shared>>) dst(%arg9 : memref<128x32xf32, #tpu.memory_space<vmem>>)
      %add3A_242 = arith.constant 0 : i32
      %add3A_243 = arith.addi %mul3A_234, %add3A_242 : i32
      %dma_start3A_244 = arith.constant 0 : i32
      %dma_start3A_245 = tpu.memref_slice %arg8[%add3A_243, %dma_start3A_244] : memref<80x128xi32, #tpu.memory_space<vmem>> -> memref<1x128xi32, #tpu.memory_space<vmem>>
      %dma_start3A_246 = tpu.memref_squeeze %dma_start3A_245 : memref<1x128xi32, #tpu.memory_space<vmem>> -> memref<128xi32, #tpu.memory_space<vmem>>
      %dma_start3A_247 = arith.constant 0 : i32
      %dma_start3A_248 = arith.constant 0 : i32
      %dma_start3A_249 = tpu.memref_slice %arg17[%dma_start3A_247, %dma_start3A_248] : memref<10112x32xf32, #tpu.memory_space<vmem_shared>> -> memref<10112x32xf32, #tpu.memory_space<vmem_shared>>
      tpu.enqueue_indirect_dma source(%arg9 : memref<128x32xf32, #tpu.memory_space<vmem>>) target(%dma_start3A_249 : memref<10112x32xf32, #tpu.memory_space<vmem_shared>>) offsets(%dma_start3A_246 : memref<128xi32, #tpu.memory_space<vmem>>) semaphore(%arg23 : memref<!tpu.dma_semaphore, #tpu.memory_space<semaphore_mem>>) {add = true}
      %dma_wait3A_250 = arith.constant 0 : i32
      %dma_wait3A_251 = arith.constant 0 : i32
      %dma_wait3A_252 = tpu.memref_slice %arg7[%dma_wait3A_250, %dma_wait3A_251] : memref<80x128xi32, #tpu.memory_space<vmem>> -> memref<1x128xi32, #tpu.memory_space<vmem>>
      %dma_wait3A_253 = tpu.memref_squeeze %dma_wait3A_252 : memref<1x128xi32, #tpu.memory_space<vmem>> -> memref<128xi32, #tpu.memory_space<vmem>>
      %dma_wait3A_254 = arith.constant 0 : i32
      %dma_wait3A_255 = arith.constant 0 : i32
      %dma_wait3A_256 = tpu.memref_slice %arg16[%dma_wait3A_254, %dma_wait3A_255] : memref<10112x32xf32, #tpu.memory_space<vmem_shared>> -> memref<10112x32xf32, #tpu.memory_space<vmem_shared>>
      tpu.wait_indirect_dma semaphore(%arg19 : memref<!tpu.dma_semaphore, #tpu.memory_space<semaphore_mem>>) src(%dma_wait3A_256 : memref<10112x32xf32, #tpu.memory_space<vmem_shared>>) dst(%arg10 : memref<128x32xf32, #tpu.memory_space<vmem>>)
      %add3A_257 = arith.constant 1 : i32
      %add3A_258 = arith.addi %mul3A_234, %add3A_257 : i32
      %dma_start3A_259 = arith.constant 0 : i32
      %dma_start3A_260 = tpu.memref_slice %arg8[%add3A_258, %dma_start3A_259] : memref<80x128xi32, #tpu.memory_space<vmem>> -> memref<1x128xi32, #tpu.memory_space<vmem>>
      %dma_start3A_261 = tpu.memref_squeeze %dma_start3A_260 : memref<1x128xi32, #tpu.memory_space<vmem>> -> memref<128xi32, #tpu.memory_space<vmem>>
      %dma_start3A_262 = arith.constant 0 : i32
      %dma_start3A_263 = arith.constant 0 : i32
      %dma_start3A_264 = tpu.memref_slice %arg17[%dma_start3A_262, %dma_start3A_263] : memref<10112x32xf32, #tpu.memory_space<vmem_shared>> -> memref<10112x32xf32, #tpu.memory_space<vmem_shared>>
      tpu.enqueue_indirect_dma source(%arg10 : memref<128x32xf32, #tpu.memory_space<vmem>>) target(%dma_start3A_264 : memref<10112x32xf32, #tpu.memory_space<vmem_shared>>) offsets(%dma_start3A_261 : memref<128xi32, #tpu.memory_space<vmem>>) semaphore(%arg24 : memref<!tpu.dma_semaphore, #tpu.memory_space<semaphore_mem>>) {add = true}
      %dma_wait3A_265 = arith.constant 0 : i32
      %dma_wait3A_266 = arith.constant 0 : i32
      %dma_wait3A_267 = tpu.memref_slice %arg7[%dma_wait3A_265, %dma_wait3A_266] : memref<80x128xi32, #tpu.memory_space<vmem>> -> memref<1x128xi32, #tpu.memory_space<vmem>>
      %dma_wait3A_268 = tpu.memref_squeeze %dma_wait3A_267 : memref<1x128xi32, #tpu.memory_space<vmem>> -> memref<128xi32, #tpu.memory_space<vmem>>
      %dma_wait3A_269 = arith.constant 0 : i32
      %dma_wait3A_270 = arith.constant 0 : i32
      %dma_wait3A_271 = tpu.memref_slice %arg16[%dma_wait3A_269, %dma_wait3A_270] : memref<10112x32xf32, #tpu.memory_space<vmem_shared>> -> memref<10112x32xf32, #tpu.memory_space<vmem_shared>>
      tpu.wait_indirect_dma semaphore(%arg20 : memref<!tpu.dma_semaphore, #tpu.memory_space<semaphore_mem>>) src(%dma_wait3A_271 : memref<10112x32xf32, #tpu.memory_space<vmem_shared>>) dst(%arg11 : memref<128x32xf32, #tpu.memory_space<vmem>>)
      %add3A_272 = arith.constant 2 : i32
      %add3A_273 = arith.addi %mul3A_234, %add3A_272 : i32
      %dma_start3A_274 = arith.constant 0 : i32
      %dma_start3A_275 = tpu.memref_slice %arg8[%add3A_273, %dma_start3A_274] : memref<80x128xi32, #tpu.memory_space<vmem>> -> memref<1x128xi32, #tpu.memory_space<vmem>>
      %dma_start3A_276 = tpu.memref_squeeze %dma_start3A_275 : memref<1x128xi32, #tpu.memory_space<vmem>> -> memref<128xi32, #tpu.memory_space<vmem>>
      %dma_start3A_277 = arith.constant 0 : i32
      %dma_start3A_278 = arith.constant 0 : i32
      %dma_start3A_279 = tpu.memref_slice %arg17[%dma_start3A_277, %dma_start3A_278] : memref<10112x32xf32, #tpu.memory_space<vmem_shared>> -> memref<10112x32xf32, #tpu.memory_space<vmem_shared>>
      tpu.enqueue_indirect_dma source(%arg11 : memref<128x32xf32, #tpu.memory_space<vmem>>) target(%dma_start3A_279 : memref<10112x32xf32, #tpu.memory_space<vmem_shared>>) offsets(%dma_start3A_276 : memref<128xi32, #tpu.memory_space<vmem>>) semaphore(%arg25 : memref<!tpu.dma_semaphore, #tpu.memory_space<semaphore_mem>>) {add = true}
      %dma_wait3A_280 = arith.constant 0 : i32
      %dma_wait3A_281 = arith.constant 0 : i32
      %dma_wait3A_282 = tpu.memref_slice %arg7[%dma_wait3A_280, %dma_wait3A_281] : memref<80x128xi32, #tpu.memory_space<vmem>> -> memref<1x128xi32, #tpu.memory_space<vmem>>
      %dma_wait3A_283 = tpu.memref_squeeze %dma_wait3A_282 : memref<1x128xi32, #tpu.memory_space<vmem>> -> memref<128xi32, #tpu.memory_space<vmem>>
      %dma_wait3A_284 = arith.constant 0 : i32
      %dma_wait3A_285 = arith.constant 0 : i32
      %dma_wait3A_286 = tpu.memref_slice %arg16[%dma_wait3A_284, %dma_wait3A_285] : memref<10112x32xf32, #tpu.memory_space<vmem_shared>> -> memref<10112x32xf32, #tpu.memory_space<vmem_shared>>
      tpu.wait_indirect_dma semaphore(%arg21 : memref<!tpu.dma_semaphore, #tpu.memory_space<semaphore_mem>>) src(%dma_wait3A_286 : memref<10112x32xf32, #tpu.memory_space<vmem_shared>>) dst(%arg12 : memref<128x32xf32, #tpu.memory_space<vmem>>)
      %add3A_287 = arith.constant 3 : i32
      %add3A_288 = arith.addi %mul3A_234, %add3A_287 : i32
      %dma_start3A_289 = arith.constant 0 : i32
      %dma_start3A_290 = tpu.memref_slice %arg8[%add3A_288, %dma_start3A_289] : memref<80x128xi32, #tpu.memory_space<vmem>> -> memref<1x128xi32, #tpu.memory_space<vmem>>
      %dma_start3A_291 = tpu.memref_squeeze %dma_start3A_290 : memref<1x128xi32, #tpu.memory_space<vmem>> -> memref<128xi32, #tpu.memory_space<vmem>>
      %dma_start3A_292 = arith.constant 0 : i32
      %dma_start3A_293 = arith.constant 0 : i32
      %dma_start3A_294 = tpu.memref_slice %arg17[%dma_start3A_292, %dma_start3A_293] : memref<10112x32xf32, #tpu.memory_space<vmem_shared>> -> memref<10112x32xf32, #tpu.memory_space<vmem_shared>>
      tpu.enqueue_indirect_dma source(%arg12 : memref<128x32xf32, #tpu.memory_space<vmem>>) target(%dma_start3A_294 : memref<10112x32xf32, #tpu.memory_space<vmem_shared>>) offsets(%dma_start3A_291 : memref<128xi32, #tpu.memory_space<vmem>>) semaphore(%arg26 : memref<!tpu.dma_semaphore, #tpu.memory_space<semaphore_mem>>) {add = true}
      %dma_wait3A_295 = arith.constant 0 : i32
      %dma_wait3A_296 = arith.constant 0 : i32
      %dma_wait3A_297 = tpu.memref_slice %arg7[%dma_wait3A_295, %dma_wait3A_296] : memref<80x128xi32, #tpu.memory_space<vmem>> -> memref<1x128xi32, #tpu.memory_space<vmem>>
      %dma_wait3A_298 = tpu.memref_squeeze %dma_wait3A_297 : memref<1x128xi32, #tpu.memory_space<vmem>> -> memref<128xi32, #tpu.memory_space<vmem>>
      %dma_wait3A_299 = arith.constant 0 : i32
      %dma_wait3A_300 = arith.constant 0 : i32
      %dma_wait3A_301 = tpu.memref_slice %arg16[%dma_wait3A_299, %dma_wait3A_300] : memref<10112x32xf32, #tpu.memory_space<vmem_shared>> -> memref<10112x32xf32, #tpu.memory_space<vmem_shared>>
      tpu.wait_indirect_dma semaphore(%arg22 : memref<!tpu.dma_semaphore, #tpu.memory_space<semaphore_mem>>) src(%dma_wait3A_301 : memref<10112x32xf32, #tpu.memory_space<vmem_shared>>) dst(%arg13 : memref<128x32xf32, #tpu.memory_space<vmem>>)
      %add3A_302 = arith.constant 4 : i32
      %add3A_303 = arith.addi %mul3A_234, %add3A_302 : i32
      %dma_start3A_304 = arith.constant 0 : i32
      %dma_start3A_305 = tpu.memref_slice %arg8[%add3A_303, %dma_start3A_304] : memref<80x128xi32, #tpu.memory_space<vmem>> -> memref<1x128xi32, #tpu.memory_space<vmem>>
      %dma_start3A_306 = tpu.memref_squeeze %dma_start3A_305 : memref<1x128xi32, #tpu.memory_space<vmem>> -> memref<128xi32, #tpu.memory_space<vmem>>
      %dma_start3A_307 = arith.constant 0 : i32
      %dma_start3A_308 = arith.constant 0 : i32
      %dma_start3A_309 = tpu.memref_slice %arg17[%dma_start3A_307, %dma_start3A_308] : memref<10112x32xf32, #tpu.memory_space<vmem_shared>> -> memref<10112x32xf32, #tpu.memory_space<vmem_shared>>
      tpu.enqueue_indirect_dma source(%arg13 : memref<128x32xf32, #tpu.memory_space<vmem>>) target(%dma_start3A_309 : memref<10112x32xf32, #tpu.memory_space<vmem_shared>>) offsets(%dma_start3A_306 : memref<128xi32, #tpu.memory_space<vmem>>) semaphore(%arg27 : memref<!tpu.dma_semaphore, #tpu.memory_space<semaphore_mem>>) {add = true}
      %dma_wait3A_310 = arith.constant 0 : i32
      %dma_wait3A_311 = tpu.memref_slice %arg8[%add3A_243, %dma_wait3A_310] : memref<80x128xi32, #tpu.memory_space<vmem>> -> memref<1x128xi32, #tpu.memory_space<vmem>>
      %dma_wait3A_312 = tpu.memref_squeeze %dma_wait3A_311 : memref<1x128xi32, #tpu.memory_space<vmem>> -> memref<128xi32, #tpu.memory_space<vmem>>
      %dma_wait3A_313 = arith.constant 0 : i32
      %dma_wait3A_314 = arith.constant 0 : i32
      %dma_wait3A_315 = tpu.memref_slice %arg17[%dma_wait3A_313, %dma_wait3A_314] : memref<10112x32xf32, #tpu.memory_space<vmem_shared>> -> memref<10112x32xf32, #tpu.memory_space<vmem_shared>>
      tpu.wait_indirect_dma semaphore(%arg23 : memref<!tpu.dma_semaphore, #tpu.memory_space<semaphore_mem>>) src(%arg9 : memref<128x32xf32, #tpu.memory_space<vmem>>) dst(%dma_wait3A_315 : memref<10112x32xf32, #tpu.memory_space<vmem_shared>>)
      %add3A_316 = arith.constant 5 : i32
      %add3A_317 = arith.addi %mul3A_234, %add3A_316 : i32
      %add3A_318 = arith.constant 0 : i32
      %add3A_319 = arith.addi %add3A_317, %add3A_318 : i32
      %rem3A = arith.constant 80 : i32
      %rem3A_320 = arith.remsi %add3A_319, %rem3A : i32
      %dma_start3A_321 = arith.constant 0 : i32
      %dma_start3A_322 = tpu.memref_slice %arg7[%rem3A_320, %dma_start3A_321] : memref<80x128xi32, #tpu.memory_space<vmem>> -> memref<1x128xi32, #tpu.memory_space<vmem>>
      %dma_start3A_323 = tpu.memref_squeeze %dma_start3A_322 : memref<1x128xi32, #tpu.memory_space<vmem>> -> memref<128xi32, #tpu.memory_space<vmem>>
      %dma_start3A_324 = arith.constant 0 : i32
      %dma_start3A_325 = arith.constant 0 : i32
      %dma_start3A_326 = tpu.memref_slice %arg16[%dma_start3A_324, %dma_start3A_325] : memref<10112x32xf32, #tpu.memory_space<vmem_shared>> -> memref<10112x32xf32, #tpu.memory_space<vmem_shared>>
      tpu.enqueue_indirect_dma source(%dma_start3A_326 : memref<10112x32xf32, #tpu.memory_space<vmem_shared>>) target(%arg9 : memref<128x32xf32, #tpu.memory_space<vmem>>) offsets(%dma_start3A_323 : memref<128xi32, #tpu.memory_space<vmem>>) semaphore(%arg18 : memref<!tpu.dma_semaphore, #tpu.memory_space<semaphore_mem>>)
      %dma_wait3A_327 = arith.constant 0 : i32
      %dma_wait3A_328 = tpu.memref_slice %arg8[%add3A_258, %dma_wait3A_327] : memref<80x128xi32, #tpu.memory_space<vmem>> -> memref<1x128xi32, #tpu.memory_space<vmem>>
      %dma_wait3A_329 = tpu.memref_squeeze %dma_wait3A_328 : memref<1x128xi32, #tpu.memory_space<vmem>> -> memref<128xi32, #tpu.memory_space<vmem>>
      %dma_wait3A_330 = arith.constant 0 : i32
      %dma_wait3A_331 = arith.constant 0 : i32
      %dma_wait3A_332 = tpu.memref_slice %arg17[%dma_wait3A_330, %dma_wait3A_331] : memref<10112x32xf32, #tpu.memory_space<vmem_shared>> -> memref<10112x32xf32, #tpu.memory_space<vmem_shared>>
      tpu.wait_indirect_dma semaphore(%arg24 : memref<!tpu.dma_semaphore, #tpu.memory_space<semaphore_mem>>) src(%arg10 : memref<128x32xf32, #tpu.memory_space<vmem>>) dst(%dma_wait3A_332 : memref<10112x32xf32, #tpu.memory_space<vmem_shared>>)
      %add3A_333 = arith.constant 5 : i32
      %add3A_334 = arith.addi %mul3A_234, %add3A_333 : i32
      %add3A_335 = arith.constant 1 : i32
      %add3A_336 = arith.addi %add3A_334, %add3A_335 : i32
      %rem3A_337 = arith.constant 80 : i32
      %rem3A_338 = arith.remsi %add3A_336, %rem3A_337 : i32
      %dma_start3A_339 = arith.constant 0 : i32
      %dma_start3A_340 = tpu.memref_slice %arg7[%rem3A_338, %dma_start3A_339] : memref<80x128xi32, #tpu.memory_space<vmem>> -> memref<1x128xi32, #tpu.memory_space<vmem>>
      %dma_start3A_341 = tpu.memref_squeeze %dma_start3A_340 : memref<1x128xi32, #tpu.memory_space<vmem>> -> memref<128xi32, #tpu.memory_space<vmem>>
      %dma_start3A_342 = arith.constant 0 : i32
      %dma_start3A_343 = arith.constant 0 : i32
      %dma_start3A_344 = tpu.memref_slice %arg16[%dma_start3A_342, %dma_start3A_343] : memref<10112x32xf32, #tpu.memory_space<vmem_shared>> -> memref<10112x32xf32, #tpu.memory_space<vmem_shared>>
      tpu.enqueue_indirect_dma source(%dma_start3A_344 : memref<10112x32xf32, #tpu.memory_space<vmem_shared>>) target(%arg10 : memref<128x32xf32, #tpu.memory_space<vmem>>) offsets(%dma_start3A_341 : memref<128xi32, #tpu.memory_space<vmem>>) semaphore(%arg19 : memref<!tpu.dma_semaphore, #tpu.memory_space<semaphore_mem>>)
      %dma_wait3A_345 = arith.constant 0 : i32
      %dma_wait3A_346 = tpu.memref_slice %arg8[%add3A_273, %dma_wait3A_345] : memref<80x128xi32, #tpu.memory_space<vmem>> -> memref<1x128xi32, #tpu.memory_space<vmem>>
      %dma_wait3A_347 = tpu.memref_squeeze %dma_wait3A_346 : memref<1x128xi32, #tpu.memory_space<vmem>> -> memref<128xi32, #tpu.memory_space<vmem>>
      %dma_wait3A_348 = arith.constant 0 : i32
      %dma_wait3A_349 = arith.constant 0 : i32
      %dma_wait3A_350 = tpu.memref_slice %arg17[%dma_wait3A_348, %dma_wait3A_349] : memref<10112x32xf32, #tpu.memory_space<vmem_shared>> -> memref<10112x32xf32, #tpu.memory_space<vmem_shared>>
      tpu.wait_indirect_dma semaphore(%arg25 : memref<!tpu.dma_semaphore, #tpu.memory_space<semaphore_mem>>) src(%arg11 : memref<128x32xf32, #tpu.memory_space<vmem>>) dst(%dma_wait3A_350 : memref<10112x32xf32, #tpu.memory_space<vmem_shared>>)
      %add3A_351 = arith.constant 5 : i32
      %add3A_352 = arith.addi %mul3A_234, %add3A_351 : i32
      %add3A_353 = arith.constant 2 : i32
      %add3A_354 = arith.addi %add3A_352, %add3A_353 : i32
      %rem3A_355 = arith.constant 80 : i32
      %rem3A_356 = arith.remsi %add3A_354, %rem3A_355 : i32
      %dma_start3A_357 = arith.constant 0 : i32
      %dma_start3A_358 = tpu.memref_slice %arg7[%rem3A_356, %dma_start3A_357] : memref<80x128xi32, #tpu.memory_space<vmem>> -> memref<1x128xi32, #tpu.memory_space<vmem>>
      %dma_start3A_359 = tpu.memref_squeeze %dma_start3A_358 : memref<1x128xi32, #tpu.memory_space<vmem>> -> memref<128xi32, #tpu.memory_space<vmem>>
      %dma_start3A_360 = arith.constant 0 : i32
      %dma_start3A_361 = arith.constant 0 : i32
      %dma_start3A_362 = tpu.memref_slice %arg16[%dma_start3A_360, %dma_start3A_361] : memref<10112x32xf32, #tpu.memory_space<vmem_shared>> -> memref<10112x32xf32, #tpu.memory_space<vmem_shared>>
      tpu.enqueue_indirect_dma source(%dma_start3A_362 : memref<10112x32xf32, #tpu.memory_space<vmem_shared>>) target(%arg11 : memref<128x32xf32, #tpu.memory_space<vmem>>) offsets(%dma_start3A_359 : memref<128xi32, #tpu.memory_space<vmem>>) semaphore(%arg20 : memref<!tpu.dma_semaphore, #tpu.memory_space<semaphore_mem>>)
      %dma_wait3A_363 = arith.constant 0 : i32
      %dma_wait3A_364 = tpu.memref_slice %arg8[%add3A_288, %dma_wait3A_363] : memref<80x128xi32, #tpu.memory_space<vmem>> -> memref<1x128xi32, #tpu.memory_space<vmem>>
      %dma_wait3A_365 = tpu.memref_squeeze %dma_wait3A_364 : memref<1x128xi32, #tpu.memory_space<vmem>> -> memref<128xi32, #tpu.memory_space<vmem>>
      %dma_wait3A_366 = arith.constant 0 : i32
      %dma_wait3A_367 = arith.constant 0 : i32
      %dma_wait3A_368 = tpu.memref_slice %arg17[%dma_wait3A_366, %dma_wait3A_367] : memref<10112x32xf32, #tpu.memory_space<vmem_shared>> -> memref<10112x32xf32, #tpu.memory_space<vmem_shared>>
      tpu.wait_indirect_dma semaphore(%arg26 : memref<!tpu.dma_semaphore, #tpu.memory_space<semaphore_mem>>) src(%arg12 : memref<128x32xf32, #tpu.memory_space<vmem>>) dst(%dma_wait3A_368 : memref<10112x32xf32, #tpu.memory_space<vmem_shared>>)
      %add3A_369 = arith.constant 5 : i32
      %add3A_370 = arith.addi %mul3A_234, %add3A_369 : i32
      %add3A_371 = arith.constant 3 : i32
      %add3A_372 = arith.addi %add3A_370, %add3A_371 : i32
      %rem3A_373 = arith.constant 80 : i32
      %rem3A_374 = arith.remsi %add3A_372, %rem3A_373 : i32
      %dma_start3A_375 = arith.constant 0 : i32
      %dma_start3A_376 = tpu.memref_slice %arg7[%rem3A_374, %dma_start3A_375] : memref<80x128xi32, #tpu.memory_space<vmem>> -> memref<1x128xi32, #tpu.memory_space<vmem>>
      %dma_start3A_377 = tpu.memref_squeeze %dma_start3A_376 : memref<1x128xi32, #tpu.memory_space<vmem>> -> memref<128xi32, #tpu.memory_space<vmem>>
      %dma_start3A_378 = arith.constant 0 : i32
      %dma_start3A_379 = arith.constant 0 : i32
      %dma_start3A_380 = tpu.memref_slice %arg16[%dma_start3A_378, %dma_start3A_379] : memref<10112x32xf32, #tpu.memory_space<vmem_shared>> -> memref<10112x32xf32, #tpu.memory_space<vmem_shared>>
      tpu.enqueue_indirect_dma source(%dma_start3A_380 : memref<10112x32xf32, #tpu.memory_space<vmem_shared>>) target(%arg12 : memref<128x32xf32, #tpu.memory_space<vmem>>) offsets(%dma_start3A_377 : memref<128xi32, #tpu.memory_space<vmem>>) semaphore(%arg21 : memref<!tpu.dma_semaphore, #tpu.memory_space<semaphore_mem>>)
      %dma_wait3A_381 = arith.constant 0 : i32
      %dma_wait3A_382 = tpu.memref_slice %arg8[%add3A_303, %dma_wait3A_381] : memref<80x128xi32, #tpu.memory_space<vmem>> -> memref<1x128xi32, #tpu.memory_space<vmem>>
      %dma_wait3A_383 = tpu.memref_squeeze %dma_wait3A_382 : memref<1x128xi32, #tpu.memory_space<vmem>> -> memref<128xi32, #tpu.memory_space<vmem>>
      %dma_wait3A_384 = arith.constant 0 : i32
      %dma_wait3A_385 = arith.constant 0 : i32
      %dma_wait3A_386 = tpu.memref_slice %arg17[%dma_wait3A_384, %dma_wait3A_385] : memref<10112x32xf32, #tpu.memory_space<vmem_shared>> -> memref<10112x32xf32, #tpu.memory_space<vmem_shared>>
      tpu.wait_indirect_dma semaphore(%arg27 : memref<!tpu.dma_semaphore, #tpu.memory_space<semaphore_mem>>) src(%arg13 : memref<128x32xf32, #tpu.memory_space<vmem>>) dst(%dma_wait3A_386 : memref<10112x32xf32, #tpu.memory_space<vmem_shared>>)
      %add3A_387 = arith.constant 5 : i32
      %add3A_388 = arith.addi %mul3A_234, %add3A_387 : i32
      %add3A_389 = arith.constant 4 : i32
      %add3A_390 = arith.addi %add3A_388, %add3A_389 : i32
      %rem3A_391 = arith.constant 80 : i32
      %rem3A_392 = arith.remsi %add3A_390, %rem3A_391 : i32
      %dma_start3A_393 = arith.constant 0 : i32
      %dma_start3A_394 = tpu.memref_slice %arg7[%rem3A_392, %dma_start3A_393] : memref<80x128xi32, #tpu.memory_space<vmem>> -> memref<1x128xi32, #tpu.memory_space<vmem>>
      %dma_start3A_395 = tpu.memref_squeeze %dma_start3A_394 : memref<1x128xi32, #tpu.memory_space<vmem>> -> memref<128xi32, #tpu.memory_space<vmem>>
      %dma_start3A_396 = arith.constant 0 : i32
      %dma_start3A_397 = arith.constant 0 : i32
      %dma_start3A_398 = tpu.memref_slice %arg16[%dma_start3A_396, %dma_start3A_397] : memref<10112x32xf32, #tpu.memory_space<vmem_shared>> -> memref<10112x32xf32, #tpu.memory_space<vmem_shared>>
      tpu.enqueue_indirect_dma source(%dma_start3A_398 : memref<10112x32xf32, #tpu.memory_space<vmem_shared>>) target(%arg13 : memref<128x32xf32, #tpu.memory_space<vmem>>) offsets(%dma_start3A_395 : memref<128xi32, #tpu.memory_space<vmem>>) semaphore(%arg22 : memref<!tpu.dma_semaphore, #tpu.memory_space<semaphore_mem>>)
    }
    %scan3A_104 = arith.constant 16 : i32
    %dma_wait3A_105 = arith.constant 0 : i32
    %dma_wait3A_106 = arith.constant 0 : i32
    %dma_wait3A_107 = tpu.memref_slice %arg7[%dma_wait3A_105, %dma_wait3A_106] : memref<80x128xi32, #tpu.memory_space<vmem>> -> memref<1x128xi32, #tpu.memory_space<vmem>>
    %dma_wait3A_108 = tpu.memref_squeeze %dma_wait3A_107 : memref<1x128xi32, #tpu.memory_space<vmem>> -> memref<128xi32, #tpu.memory_space<vmem>>
    %dma_wait3A_109 = arith.constant 0 : i32
    %dma_wait3A_110 = arith.constant 0 : i32
    %dma_wait3A_111 = tpu.memref_slice %arg16[%dma_wait3A_109, %dma_wait3A_110] : memref<10112x32xf32, #tpu.memory_space<vmem_shared>> -> memref<10112x32xf32, #tpu.memory_space<vmem_shared>>
    tpu.wait_indirect_dma semaphore(%arg18 : memref<!tpu.dma_semaphore, #tpu.memory_space<semaphore_mem>>) src(%dma_wait3A_111 : memref<10112x32xf32, #tpu.memory_space<vmem_shared>>) dst(%arg9 : memref<128x32xf32, #tpu.memory_space<vmem>>)
    %dma_wait3A_112 = arith.constant 0 : i32
    %dma_wait3A_113 = arith.constant 0 : i32
    %dma_wait3A_114 = tpu.memref_slice %arg7[%dma_wait3A_112, %dma_wait3A_113] : memref<80x128xi32, #tpu.memory_space<vmem>> -> memref<1x128xi32, #tpu.memory_space<vmem>>
    %dma_wait3A_115 = tpu.memref_squeeze %dma_wait3A_114 : memref<1x128xi32, #tpu.memory_space<vmem>> -> memref<128xi32, #tpu.memory_space<vmem>>
    %dma_wait3A_116 = arith.constant 0 : i32
    %dma_wait3A_117 = arith.constant 0 : i32
    %dma_wait3A_118 = tpu.memref_slice %arg16[%dma_wait3A_116, %dma_wait3A_117] : memref<10112x32xf32, #tpu.memory_space<vmem_shared>> -> memref<10112x32xf32, #tpu.memory_space<vmem_shared>>
    tpu.wait_indirect_dma semaphore(%arg19 : memref<!tpu.dma_semaphore, #tpu.memory_space<semaphore_mem>>) src(%dma_wait3A_118 : memref<10112x32xf32, #tpu.memory_space<vmem_shared>>) dst(%arg10 : memref<128x32xf32, #tpu.memory_space<vmem>>)
    %dma_wait3A_119 = arith.constant 0 : i32
    %dma_wait3A_120 = arith.constant 0 : i32
    %dma_wait3A_121 = tpu.memref_slice %arg7[%dma_wait3A_119, %dma_wait3A_120] : memref<80x128xi32, #tpu.memory_space<vmem>> -> memref<1x128xi32, #tpu.memory_space<vmem>>
    %dma_wait3A_122 = tpu.memref_squeeze %dma_wait3A_121 : memref<1x128xi32, #tpu.memory_space<vmem>> -> memref<128xi32, #tpu.memory_space<vmem>>
    %dma_wait3A_123 = arith.constant 0 : i32
    %dma_wait3A_124 = arith.constant 0 : i32
    %dma_wait3A_125 = tpu.memref_slice %arg16[%dma_wait3A_123, %dma_wait3A_124] : memref<10112x32xf32, #tpu.memory_space<vmem_shared>> -> memref<10112x32xf32, #tpu.memory_space<vmem_shared>>
    tpu.wait_indirect_dma semaphore(%arg20 : memref<!tpu.dma_semaphore, #tpu.memory_space<semaphore_mem>>) src(%dma_wait3A_125 : memref<10112x32xf32, #tpu.memory_space<vmem_shared>>) dst(%arg11 : memref<128x32xf32, #tpu.memory_space<vmem>>)
    %dma_wait3A_126 = arith.constant 0 : i32
    %dma_wait3A_127 = arith.constant 0 : i32
    %dma_wait3A_128 = tpu.memref_slice %arg7[%dma_wait3A_126, %dma_wait3A_127] : memref<80x128xi32, #tpu.memory_space<vmem>> -> memref<1x128xi32, #tpu.memory_space<vmem>>
    %dma_wait3A_129 = tpu.memref_squeeze %dma_wait3A_128 : memref<1x128xi32, #tpu.memory_space<vmem>> -> memref<128xi32, #tpu.memory_space<vmem>>
    %dma_wait3A_130 = arith.constant 0 : i32
    %dma_wait3A_131 = arith.constant 0 : i32
    %dma_wait3A_132 = tpu.memref_slice %arg16[%dma_wait3A_130, %dma_wait3A_131] : memref<10112x32xf32, #tpu.memory_space<vmem_shared>> -> memref<10112x32xf32, #tpu.memory_space<vmem_shared>>
    tpu.wait_indirect_dma semaphore(%arg21 : memref<!tpu.dma_semaphore, #tpu.memory_space<semaphore_mem>>) src(%dma_wait3A_132 : memref<10112x32xf32, #tpu.memory_space<vmem_shared>>) dst(%arg12 : memref<128x32xf32, #tpu.memory_space<vmem>>)
    %dma_wait3A_133 = arith.constant 0 : i32
    %dma_wait3A_134 = arith.constant 0 : i32
    %dma_wait3A_135 = tpu.memref_slice %arg7[%dma_wait3A_133, %dma_wait3A_134] : memref<80x128xi32, #tpu.memory_space<vmem>> -> memref<1x128xi32, #tpu.memory_space<vmem>>
    %dma_wait3A_136 = tpu.memref_squeeze %dma_wait3A_135 : memref<1x128xi32, #tpu.memory_space<vmem>> -> memref<128xi32, #tpu.memory_space<vmem>>
    %dma_wait3A_137 = arith.constant 0 : i32
    %dma_wait3A_138 = arith.constant 0 : i32
    %dma_wait3A_139 = tpu.memref_slice %arg16[%dma_wait3A_137, %dma_wait3A_138] : memref<10112x32xf32, #tpu.memory_space<vmem_shared>> -> memref<10112x32xf32, #tpu.memory_space<vmem_shared>>
    tpu.wait_indirect_dma semaphore(%arg22 : memref<!tpu.dma_semaphore, #tpu.memory_space<semaphore_mem>>) src(%dma_wait3A_139 : memref<10112x32xf32, #tpu.memory_space<vmem_shared>>) dst(%arg13 : memref<128x32xf32, #tpu.memory_space<vmem>>)
    %barrier3A_140 = arith.constant 0 : index
    tpu.barrier barrier_id(%barrier3A_140)
    %mul3A_141 = arith.constant 632 : i32
    %mul3A_142 = arith.muli %arg1, %mul3A_141 : i32
    %mul3A_143 = arith.constant 10112 : i32
    %mul3A_144 = arith.muli %arg0, %mul3A_143 : i32
    %mul3A_145 = arith.constant 632 : i32
    %mul3A_146 = arith.muli %arg1, %mul3A_145 : i32
    %add3A_147 = arith.addi %mul3A_144, %mul3A_146 : i32
    %dma_start3A_148 = arith.constant 0 : i32
    %dma_start3A_149 = arith.constant 0 : i32
    %dma_start3A_150 = tpu.memref_slice %arg14[%dma_start3A_148, %dma_start3A_149] : memref<632x32xf32, #tpu.memory_space<vmem>> -> memref<316x32xf32, #tpu.memory_space<vmem>>
    %dma_start3A_151 = arith.constant 0 : i32
    %dma_start3A_152 = tpu.memref_slice %arg17[%mul3A_142, %dma_start3A_151] : memref<10112x32xf32, #tpu.memory_space<vmem_shared>> -> memref<316x32xf32, #tpu.memory_space<vmem_shared>>
    %dma_start3A_153 = arith.constant 0 : i32
    %dma_start3A_154 = arith.constant 0 : i32
    %dma_start3A_155 = tpu.memref_slice %arg14[%dma_start3A_153, %dma_start3A_154] : memref<632x32xf32, #tpu.memory_space<vmem>> -> memref<316x32xf32, #tpu.memory_space<vmem>>
    %dma_start3A_156 = arith.constant 0 : i32
    %dma_start3A_157 = tpu.memref_slice %arg17[%mul3A_142, %dma_start3A_156] : memref<10112x32xf32, #tpu.memory_space<vmem_shared>> -> memref<316x32xf32, #tpu.memory_space<vmem_shared>>
    tpu.enqueue_dma source(%dma_start3A_157 : memref<316x32xf32, #tpu.memory_space<vmem_shared>>) target(%dma_start3A_155 : memref<316x32xf32, #tpu.memory_space<vmem>>) target_semaphore(%arg18 : memref<!tpu.dma_semaphore, #tpu.memory_space<semaphore_mem>>)
    %add3A_158 = arith.constant 316 : i32
    %add3A_159 = arith.addi %mul3A_142, %add3A_158 : i32
    %dma_start3A_160 = arith.constant 0 : i32
    %dma_start3A_161 = arith.constant 0 : i32
    %dma_start3A_162 = tpu.memref_slice %arg15[%dma_start3A_160, %dma_start3A_161] : memref<632x32xf32, #tpu.memory_space<vmem>> -> memref<316x32xf32, #tpu.memory_space<vmem>>
    %dma_start3A_163 = arith.constant 0 : i32
    %dma_start3A_164 = tpu.memref_slice %arg17[%add3A_159, %dma_start3A_163] : memref<10112x32xf32, #tpu.memory_space<vmem_shared>> -> memref<316x32xf32, #tpu.memory_space<vmem_shared>>
    %dma_start3A_165 = arith.constant 0 : i32
    %dma_start3A_166 = arith.constant 0 : i32
    %dma_start3A_167 = tpu.memref_slice %arg15[%dma_start3A_165, %dma_start3A_166] : memref<632x32xf32, #tpu.memory_space<vmem>> -> memref<316x32xf32, #tpu.memory_space<vmem>>
    %dma_start3A_168 = arith.constant 0 : i32
    %dma_start3A_169 = tpu.memref_slice %arg17[%add3A_159, %dma_start3A_168] : memref<10112x32xf32, #tpu.memory_space<vmem_shared>> -> memref<316x32xf32, #tpu.memory_space<vmem_shared>>
    tpu.enqueue_dma source(%dma_start3A_169 : memref<316x32xf32, #tpu.memory_space<vmem_shared>>) target(%dma_start3A_167 : memref<316x32xf32, #tpu.memory_space<vmem>>) target_semaphore(%arg19 : memref<!tpu.dma_semaphore, #tpu.memory_space<semaphore_mem>>)
    %dma_wait3A_170 = arith.constant 0 : i32
    %dma_wait3A_171 = arith.constant 0 : i32
    %dma_wait3A_172 = tpu.memref_slice %arg14[%dma_wait3A_170, %dma_wait3A_171] : memref<632x32xf32, #tpu.memory_space<vmem>> -> memref<316x32xf32, #tpu.memory_space<vmem>>
    %dma_wait3A_173 = arith.constant 0 : i32
    %dma_wait3A_174 = tpu.memref_slice %arg17[%mul3A_142, %dma_wait3A_173] : memref<10112x32xf32, #tpu.memory_space<vmem_shared>> -> memref<316x32xf32, #tpu.memory_space<vmem_shared>>
    %dma_wait3A_175 = arith.constant 0 : i32
    %dma_wait3A_176 = arith.constant 0 : i32
    %dma_wait3A_177 = tpu.memref_slice %arg14[%dma_wait3A_175, %dma_wait3A_176] : memref<632x32xf32, #tpu.memory_space<vmem>> -> memref<316x32xf32, #tpu.memory_space<vmem>>
    %dma_wait3A_178 = arith.constant 0 : i32
    %dma_wait3A_179 = tpu.memref_slice %arg17[%mul3A_142, %dma_wait3A_178] : memref<10112x32xf32, #tpu.memory_space<vmem_shared>> -> memref<316x32xf32, #tpu.memory_space<vmem_shared>>
    tpu.wait_dma2 semaphore(%arg18 : memref<!tpu.dma_semaphore, #tpu.memory_space<semaphore_mem>>) src(%dma_wait3A_179 : memref<316x32xf32, #tpu.memory_space<vmem_shared>>) dst(%dma_wait3A_177 : memref<316x32xf32, #tpu.memory_space<vmem>>)
    %dma_start3A_180 = arith.constant 0 : i32
    %dma_start3A_181 = arith.constant 0 : i32
    %dma_start3A_182 = tpu.memref_slice %arg14[%dma_start3A_180, %dma_start3A_181] : memref<632x32xf32, #tpu.memory_space<vmem>> -> memref<316x32xf32, #tpu.memory_space<vmem>>
    %dma_start3A_183 = arith.constant 0 : i32
    %dma_start3A_184 = tpu.memref_slice %arg6[%add3A_147, %dma_start3A_183] : memref<20224x32xf32, #tpu.memory_space<hbm>> -> memref<316x32xf32, #tpu.memory_space<hbm>>
    %dma_start3A_185 = arith.constant 0 : i32
    %dma_start3A_186 = tpu.memref_slice %arg6[%add3A_147, %dma_start3A_185] : memref<20224x32xf32, #tpu.memory_space<hbm>> -> memref<316x32xf32, #tpu.memory_space<hbm>>
    %dma_start3A_187 = arith.constant 0 : i32
    %dma_start3A_188 = arith.constant 0 : i32
    %dma_start3A_189 = tpu.memref_slice %arg14[%dma_start3A_187, %dma_start3A_188] : memref<632x32xf32, #tpu.memory_space<vmem>> -> memref<316x32xf32, #tpu.memory_space<vmem>>
    tpu.enqueue_dma source(%dma_start3A_189 : memref<316x32xf32, #tpu.memory_space<vmem>>) target(%dma_start3A_186 : memref<316x32xf32, #tpu.memory_space<hbm>>) target_semaphore(%arg18 : memref<!tpu.dma_semaphore, #tpu.memory_space<semaphore_mem>>)
    %dma_wait3A_190 = arith.constant 0 : i32
    %dma_wait3A_191 = arith.constant 0 : i32
    %dma_wait3A_192 = tpu.memref_slice %arg15[%dma_wait3A_190, %dma_wait3A_191] : memref<632x32xf32, #tpu.memory_space<vmem>> -> memref<316x32xf32, #tpu.memory_space<vmem>>
    %dma_wait3A_193 = arith.constant 0 : i32
    %dma_wait3A_194 = tpu.memref_slice %arg17[%add3A_159, %dma_wait3A_193] : memref<10112x32xf32, #tpu.memory_space<vmem_shared>> -> memref<316x32xf32, #tpu.memory_space<vmem_shared>>
    %dma_wait3A_195 = arith.constant 0 : i32
    %dma_wait3A_196 = arith.constant 0 : i32
    %dma_wait3A_197 = tpu.memref_slice %arg15[%dma_wait3A_195, %dma_wait3A_196] : memref<632x32xf32, #tpu.memory_space<vmem>> -> memref<316x32xf32, #tpu.memory_space<vmem>>
    %dma_wait3A_198 = arith.constant 0 : i32
    %dma_wait3A_199 = tpu.memref_slice %arg17[%add3A_159, %dma_wait3A_198] : memref<10112x32xf32, #tpu.memory_space<vmem_shared>> -> memref<316x32xf32, #tpu.memory_space<vmem_shared>>
    tpu.wait_dma2 semaphore(%arg19 : memref<!tpu.dma_semaphore, #tpu.memory_space<semaphore_mem>>) src(%dma_wait3A_199 : memref<316x32xf32, #tpu.memory_space<vmem_shared>>) dst(%dma_wait3A_197 : memref<316x32xf32, #tpu.memory_space<vmem>>)
    %add3A_200 = arith.constant 316 : i32
    %add3A_201 = arith.addi %add3A_147, %add3A_200 : i32
    %dma_start3A_202 = arith.constant 0 : i32
    %dma_start3A_203 = arith.constant 0 : i32
    %dma_start3A_204 = tpu.memref_slice %arg15[%dma_start3A_202, %dma_start3A_203] : memref<632x32xf32, #tpu.memory_space<vmem>> -> memref<316x32xf32, #tpu.memory_space<vmem>>
    %dma_start3A_205 = arith.constant 0 : i32
    %dma_start3A_206 = tpu.memref_slice %arg6[%add3A_201, %dma_start3A_205] : memref<20224x32xf32, #tpu.memory_space<hbm>> -> memref<316x32xf32, #tpu.memory_space<hbm>>
    %dma_start3A_207 = arith.constant 0 : i32
    %dma_start3A_208 = tpu.memref_slice %arg6[%add3A_201, %dma_start3A_207] : memref<20224x32xf32, #tpu.memory_space<hbm>> -> memref<316x32xf32, #tpu.memory_space<hbm>>
    %dma_start3A_209 = arith.constant 0 : i32
    %dma_start3A_210 = arith.constant 0 : i32
    %dma_start3A_211 = tpu.memref_slice %arg15[%dma_start3A_209, %dma_start3A_210] : memref<632x32xf32, #tpu.memory_space<vmem>> -> memref<316x32xf32, #tpu.memory_space<vmem>>
    tpu.enqueue_dma source(%dma_start3A_211 : memref<316x32xf32, #tpu.memory_space<vmem>>) target(%dma_start3A_208 : memref<316x32xf32, #tpu.memory_space<hbm>>) target_semaphore(%arg19 : memref<!tpu.dma_semaphore, #tpu.memory_space<semaphore_mem>>)
    %dma_wait3A_212 = arith.constant 0 : i32
    %dma_wait3A_213 = arith.constant 0 : i32
    %dma_wait3A_214 = tpu.memref_slice %arg14[%dma_wait3A_212, %dma_wait3A_213] : memref<632x32xf32, #tpu.memory_space<vmem>> -> memref<316x32xf32, #tpu.memory_space<vmem>>
    %dma_wait3A_215 = arith.constant 0 : i32
    %dma_wait3A_216 = tpu.memref_slice %arg6[%add3A_147, %dma_wait3A_215] : memref<20224x32xf32, #tpu.memory_space<hbm>> -> memref<316x32xf32, #tpu.memory_space<hbm>>
    %dma_wait3A_217 = arith.constant 0 : i32
    %dma_wait3A_218 = tpu.memref_slice %arg6[%add3A_147, %dma_wait3A_217] : memref<20224x32xf32, #tpu.memory_space<hbm>> -> memref<316x32xf32, #tpu.memory_space<hbm>>
    %dma_wait3A_219 = arith.constant 0 : i32
    %dma_wait3A_220 = arith.constant 0 : i32
    %dma_wait3A_221 = tpu.memref_slice %arg14[%dma_wait3A_219, %dma_wait3A_220] : memref<632x32xf32, #tpu.memory_space<vmem>> -> memref<316x32xf32, #tpu.memory_space<vmem>>
    tpu.wait_dma2 semaphore(%arg18 : memref<!tpu.dma_semaphore, #tpu.memory_space<semaphore_mem>>) src(%dma_wait3A_221 : memref<316x32xf32, #tpu.memory_space<vmem>>) dst(%dma_wait3A_218 : memref<316x32xf32, #tpu.memory_space<hbm>>)
    %dma_wait3A_222 = arith.constant 0 : i32
    %dma_wait3A_223 = arith.constant 0 : i32
    %dma_wait3A_224 = tpu.memref_slice %arg15[%dma_wait3A_222, %dma_wait3A_223] : memref<632x32xf32, #tpu.memory_space<vmem>> -> memref<316x32xf32, #tpu.memory_space<vmem>>
    %dma_wait3A_225 = arith.constant 0 : i32
    %dma_wait3A_226 = tpu.memref_slice %arg6[%add3A_201, %dma_wait3A_225] : memref<20224x32xf32, #tpu.memory_space<hbm>> -> memref<316x32xf32, #tpu.memory_space<hbm>>
    %dma_wait3A_227 = arith.constant 0 : i32
    %dma_wait3A_228 = tpu.memref_slice %arg6[%add3A_201, %dma_wait3A_227] : memref<20224x32xf32, #tpu.memory_space<hbm>> -> memref<316x32xf32, #tpu.memory_space<hbm>>
    %dma_wait3A_229 = arith.constant 0 : i32
    %dma_wait3A_230 = arith.constant 0 : i32
    %dma_wait3A_231 = tpu.memref_slice %arg15[%dma_wait3A_229, %dma_wait3A_230] : memref<632x32xf32, #tpu.memory_space<vmem>> -> memref<316x32xf32, #tpu.memory_space<vmem>>
    tpu.wait_dma2 semaphore(%arg19 : memref<!tpu.dma_semaphore, #tpu.memory_space<semaphore_mem>>) src(%dma_wait3A_231 : memref<316x32xf32, #tpu.memory_space<vmem>>) dst(%dma_wait3A_228 : memref<316x32xf32, #tpu.memory_space<hbm>>)
    return
  }
}

module attributes {stable_mosaic.version = 14 : i64} {
  func.func @_mm_body(%arg0: memref<10000x128xf32, #tpu.memory_space<vmem>>, %arg1: memref<128x32xf32, #tpu.memory_space<vmem>>, %arg2: memref<1x32xf32, #tpu.memory_space<vmem>>, %arg3: memref<2x320000xi32, #tpu.memory_space<vmem>>, %arg4: memref<10112x32xf32, #tpu.memory_space<vmem>>, %arg5: memref<2x327680xi32, #tpu.memory_space<vmem>>) attributes {dimension_semantics = [], scalar_prefetch = 0 : i64, scratch_operands = 0 : i64, tpu.core_type = #tpu.core_type<tc>} {
    %get3A = arith.constant 0 : index
    %get3A_0 = arith.constant 0 : index
    %get3A_1 = vector.load %arg0[%get3A, %get3A_0] : memref<10000x128xf32, #tpu.memory_space<vmem>>, vector<10000x128xf32>
    %get3A_2 = arith.constant 0 : index
    %get3A_3 = arith.constant 0 : index
    %get3A_4 = vector.load %arg1[%get3A_2, %get3A_3] : memref<128x32xf32, #tpu.memory_space<vmem>>, vector<128x32xf32>
    %dot_general3A = arith.constant dense<0.000000e+00> : vector<10000x32xf32>
    %dot_general3A_5 = tpu.matmul %get3A_1, %get3A_4, %dot_general3A {dimension_numbers = #tpu.dot_dimension_numbers<[1], [0], [0], [1], [0, 0, 1, 1], [], []>, transpose_lhs_hint = false} : vector<10000x128xf32>, vector<128x32xf32>, vector<10000x32xf32> -> vector<10000x32xf32>
    %get3A_6 = arith.constant 0 : index
    %get3A_7 = arith.constant 0 : index
    %get3A_8 = vector.load %arg2[%get3A_6, %get3A_7] : memref<1x32xf32, #tpu.memory_space<vmem>>, vector<1x32xf32>
    %add3A = vector.broadcast %get3A_8 : vector<1x32xf32> to vector<10000x32xf32>
    %add3A_9 = arith.addf %dot_general3A_5, %add3A : vector<10000x32xf32>
    %broadcast_in_dim3A = arith.constant 0.000000e+00 : f32
    %broadcast_in_dim3A_10 = vector.broadcast %broadcast_in_dim3A : f32 to vector<112x32xf32>
    %concatenate3A = tpu.concatenate %add3A_9, %broadcast_in_dim3A_10 in 0 : vector<10000x32xf32>, vector<112x32xf32> -> vector<10112x32xf32>
    %swap3A = arith.constant 0 : index
    %swap3A_11 = arith.constant 0 : index
    %swap3A_12 = vector.load %arg4[%swap3A, %swap3A_11] : memref<10112x32xf32, #tpu.memory_space<vmem>>, vector<10112x32xf32>
    tpu.vector_store %arg4[%swap3A, %swap3A_11], %concatenate3A {strides = array<i32>} : memref<10112x32xf32, #tpu.memory_space<vmem>>, vector<10112x32xf32>,
    %get3A_13 = arith.constant 0 : index
    %get3A_14 = arith.constant 0 : index
    %get3A_15 = vector.load %arg3[%get3A_13, %get3A_14] : memref<2x320000xi32, #tpu.memory_space<vmem>>, vector<2x320000xi32>
    %broadcast_in_dim3A_16 = arith.constant 10000 : i32
    %broadcast_in_dim3A_17 = vector.broadcast %broadcast_in_dim3A_16 : i32 to vector<2x7680xi32>
    %concatenate3A_18 = tpu.concatenate %get3A_15, %broadcast_in_dim3A_17 in 1 : vector<2x320000xi32>, vector<2x7680xi32> -> vector<2x327680xi32>
    %swap3A_19 = arith.constant 0 : index
    %swap3A_20 = arith.constant 0 : index
    %swap3A_21 = vector.load %arg5[%swap3A_19, %swap3A_20] : memref<2x327680xi32, #tpu.memory_space<vmem>>, vector<2x327680xi32>
    tpu.vector_store %arg5[%swap3A_19, %swap3A_20], %concatenate3A_18 {strides = array<i32>} : memref<2x327680xi32, #tpu.memory_space<vmem>>, vector<2x327680xi32>,
    return
  }
}

module attributes {stable_mosaic.version = 14 : i64} {
  func.func @_post_body(%arg0: memref<2x10112x32xf32, #tpu.memory_space<vmem>>, %arg1: memref<1x10000xi32, #tpu.memory_space<vmem>>, %arg2: memref<32x512xf32, #tpu.memory_space<vmem>>, %arg3: memref<1x512xf32, #tpu.memory_space<vmem>>, %arg4: memref<512x10xf32, #tpu.memory_space<vmem>>, %arg5: memref<1x10xf32, #tpu.memory_space<vmem>>, %arg6: memref<16x10xf32, #tpu.memory_space<vmem>>) attributes {dimension_semantics = [], scalar_prefetch = 0 : i64, scratch_operands = 0 : i64, tpu.core_type = #tpu.core_type<tc>} {
    %get3A = arith.constant 0 : index
    %get3A_0 = arith.constant 0 : index
    %get3A_1 = arith.constant 0 : index
    %get3A_2 = vector.load %arg0[%get3A, %get3A_0, %get3A_1] : memref<2x10112x32xf32, #tpu.memory_space<vmem>>, vector<1x10000x32xf32>
    %get3A_3 = vector.shape_cast %get3A_2 : vector<1x10000x32xf32> to vector<10000x32xf32>
    %get3A_4 = arith.constant 1 : index
    %get3A_5 = arith.constant 0 : index
    %get3A_6 = arith.constant 0 : index
    %get3A_7 = vector.load %arg0[%get3A_4, %get3A_5, %get3A_6] : memref<2x10112x32xf32, #tpu.memory_space<vmem>>, vector<1x10000x32xf32>
    %get3A_8 = vector.shape_cast %get3A_7 : vector<1x10000x32xf32> to vector<10000x32xf32>
    %add3A = arith.addf %get3A_3, %get3A_8 : vector<10000x32xf32>
    %max3A = arith.constant 0.000000e+00 : f32
    %max3A_9 = vector.broadcast %max3A : f32 to vector<10000x32xf32>
    %max3A_10 = arith.maximumf %add3A, %max3A_9 : vector<10000x32xf32>
    %iota3A = tpu.iota {dimensions = array<i32: 0>} : vector<16x10000xi32>
    %get3A_11 = arith.constant 0 : index
    %get3A_12 = arith.constant 0 : index
    %get3A_13 = vector.load %arg1[%get3A_11, %get3A_12] : memref<1x10000xi32, #tpu.memory_space<vmem>>, vector<1x10000xi32>
    %eq3A = vector.broadcast %get3A_13 : vector<1x10000xi32> to vector<16x10000xi32>
    %eq3A_14 = arith.cmpi eq, %eq3A, %iota3A : vector<16x10000xi32>
    %convert_element_type3A = arith.extui %eq3A_14 : vector<16x10000xi1> to vector<16x10000xi32>
    %convert_element_type3A_15 = arith.sitofp %convert_element_type3A : vector<16x10000xi32> to vector<16x10000xf32>
    %dot_general3A = arith.constant dense<0.000000e+00> : vector<16x32xf32>
    %dot_general3A_16 = tpu.matmul %convert_element_type3A_15, %max3A_10, %dot_general3A {dimension_numbers = #tpu.dot_dimension_numbers<[1], [0], [0], [1], [0, 0, 1, 1], [], []>, transpose_lhs_hint = false} : vector<16x10000xf32>, vector<10000x32xf32>, vector<16x32xf32> -> vector<16x32xf32>
    %get3A_17 = arith.constant 0 : index
    %get3A_18 = arith.constant 0 : index
    %get3A_19 = vector.load %arg2[%get3A_17, %get3A_18] : memref<32x512xf32, #tpu.memory_space<vmem>>, vector<32x512xf32>
    %dot_general3A_20 = arith.constant dense<0.000000e+00> : vector<16x512xf32>
    %dot_general3A_21 = tpu.matmul %dot_general3A_16, %get3A_19, %dot_general3A_20 {dimension_numbers = #tpu.dot_dimension_numbers<[1], [0], [0], [1], [0, 0, 1, 1], [], []>, transpose_lhs_hint = false} : vector<16x32xf32>, vector<32x512xf32>, vector<16x512xf32> -> vector<16x512xf32>
    %get3A_22 = arith.constant 0 : index
    %get3A_23 = arith.constant 0 : index
    %get3A_24 = vector.load %arg3[%get3A_22, %get3A_23] : memref<1x512xf32, #tpu.memory_space<vmem>>, vector<1x512xf32>
    %add3A_25 = vector.broadcast %get3A_24 : vector<1x512xf32> to vector<16x512xf32>
    %add3A_26 = arith.addf %dot_general3A_21, %add3A_25 : vector<16x512xf32>
    %max3A_27 = arith.constant 0.000000e+00 : f32
    %max3A_28 = vector.broadcast %max3A_27 : f32 to vector<16x512xf32>
    %max3A_29 = arith.maximumf %add3A_26, %max3A_28 : vector<16x512xf32>
    %get3A_30 = arith.constant 0 : index
    %get3A_31 = arith.constant 0 : index
    %get3A_32 = vector.load %arg4[%get3A_30, %get3A_31] : memref<512x10xf32, #tpu.memory_space<vmem>>, vector<512x10xf32>
    %dot_general3A_33 = arith.constant dense<0.000000e+00> : vector<16x10xf32>
    %dot_general3A_34 = tpu.matmul %max3A_29, %get3A_32, %dot_general3A_33 {dimension_numbers = #tpu.dot_dimension_numbers<[1], [0], [0], [1], [0, 0, 1, 1], [], []>, transpose_lhs_hint = false} : vector<16x512xf32>, vector<512x10xf32>, vector<16x10xf32> -> vector<16x10xf32>
    %get3A_35 = arith.constant 0 : index
    %get3A_36 = arith.constant 0 : index
    %get3A_37 = vector.load %arg5[%get3A_35, %get3A_36] : memref<1x10xf32, #tpu.memory_space<vmem>>, vector<1x10xf32>
    %add3A_38 = vector.broadcast %get3A_37 : vector<1x10xf32> to vector<16x10xf32>
    %add3A_39 = arith.addf %dot_general3A_34, %add3A_38 : vector<16x10xf32>
    %reduce_max3A = arith.constant dense<0xFF800000> : vector<16xf32>
    %reduce_max3A_40 = vector.multi_reduction <maximumf>, %add3A_39, %reduce_max3A [1] : vector<16x10xf32> to vector<16xf32>
    %broadcast_in_dim3A = vector.shape_cast %reduce_max3A_40 : vector<16xf32> to vector<16x1xf32>
    %sub3A = vector.broadcast %broadcast_in_dim3A : vector<16x1xf32> to vector<16x10xf32>
    %sub3A_41 = arith.subf %add3A_39, %sub3A : vector<16x10xf32>
    %exp3A = math.exp %sub3A_41 : vector<16x10xf32>
    %reduce_sum3A = arith.constant dense<0.000000e+00> : vector<16xf32>
    %reduce_sum3A_42 = vector.multi_reduction <add>, %exp3A, %reduce_sum3A [1] : vector<16x10xf32> to vector<16xf32>
    %broadcast_in_dim3A_43 = vector.shape_cast %reduce_sum3A_42 : vector<16xf32> to vector<16x1xf32>
    %div3A = vector.broadcast %broadcast_in_dim3A_43 : vector<16x1xf32> to vector<16x10xf32>
    %div3A_44 = arith.divf %exp3A, %div3A : vector<16x10xf32>
    %swap3A = arith.constant 0 : index
    %swap3A_45 = arith.constant 0 : index
    %swap3A_46 = vector.load %arg6[%swap3A, %swap3A_45] : memref<16x10xf32, #tpu.memory_space<vmem>>, vector<16x10xf32>
    tpu.vector_store %arg6[%swap3A, %swap3A_45], %div3A_44 {strides = array<i32>} : memref<16x10xf32, #tpu.memory_space<vmem>>, vector<16x10xf32>,
    return
  }
}

</mosaic_0001>

<sc_bundles>
// kernel: kernel.5.cloned.1.call-start
scs
__scs_entry_jumppad:
0x0: {  	(pc) =	sbr.rel $0x88, $3  }
0x1: {  	(tag) =	ssettag $0x0;
	lr =	simm.s32 $0x1  }
0x2: {  	[smem:$0x3F98] =	sst lr;
	_ =	strace $0xD0000000  }
0x3: {  	_ = 	snop  }
0x4: {  	_ = 	snop  }
0x5: {  	_ = 	snop  }
0x6: {  	_ = 	snop  }
0x7: {  	_ = 	snop  }
__scs_overlays_trampoline_lowered:
0x8: {  	[smem:$0x3FA7] =	sst s0  }
0x9: {  	[smem:$0x3FA8] =	sst s1  }
0xa: {  	[smem:$0x3FA9] =	sst s2  }
0xb: {  	[smem:$0x3FAA] =	sst s3  }
0xc: {  	[smem:$0x3FAB] =	sst s4  }
0xd: {  	[smem:$0x3FAC] =	sst s5  }
0xe: {  	[smem:$0x3FAD] =	sst s6  }
0xf: {  	[smem:$0x3FAE] =	sst s7  }
0x10: {  	[smem:$0x3FAF] =	sst s8  }
0x11: {  	[smem:$0x3FB0] =	sst s9;
	s0 =	simm.s32 @!p0 $0x0  }
0x12: {  	s1 =	sld [smem:$0x3F96];
	s0 =	simm.s32 @p0 $0x1  }
0x13: {  	[smem:$0x3FB1] =	sst s0;
	s0 =	simm.s32 @!p1 $0x0  }
0x14: {  	s2 =	sld [smem:$0x3F95];
	s0 =	simm.s32 @p1 $0x1  }
0x15: {  	[smem:$0x3FB2] =	sst s0;
	s0 =	simm.s32 @!p2 $0x0  }
0x16: {  	s3 =	sld [smem:$0x3FDB];
	s0 =	simm.s32 @p2 $0x1  }
0x17: {  	s4 =	simm.s32 $0x1BF5;
	[smem:$0x3FB4] =	sst s0  }
0x18: {  	s0 =	sld [smem:$0x3F97];
	_ =	swait.ge [sflag:s4], $0x0  }
0x19: {  	s7 =	sld [smem:$0x3F98]  }
0x1a: {  	s8 =	sadd.s32 $0xFFFFE003, lr  }
0x1b: {  	s9 =	sadd.s32 $0xFFFFFEF7, lr;
	s5 =	simm.s32 $0xFFFFFFFF;
	p2 =	slt.u32 s8, $0xFFFFF086  }
0x1c: {  	p1 =	slt.u32 s9, $0xF7A;
	s5 =	simm.s32 @!p2 $0x0  }
0x1d: {  	s5 =	simm.s32 @p1 $0x1;
	p0 =	seq.s32 s7, s2  }
0x1e: {  	s7 =	smul.u32 @!p0 $0xF7A, s2;
	p2 =	seq.s32 @!p0 s5, $0x0  }
0x1f: {  	s9 =	smul.u32 $0xF7A, s1;
	s8 =	simm.s32 @!p0 $0x1BF5;
	p2 =	por !p2, p0  }
0x20: {  	[sflag:s8] =	ssyncset.s32 @!p0 $0xFFFFF086;
	s6 =	sadd.s32 @!p0 s3, s7;
	s7 =	simm.s32 @!p0 $0x108  }
0x21: {  	s3 =	sadd.s32 s3, s9;
	s6 =	sadd.s32 @!p0 $0x88, s6;
	s7 =	simm.s32 @p2 $0x1082  }
0x22: {  	[simem:s7], [sflag:s8] =	dma.local @!p0 [hbm:s6], $0xF7A  }
0x23: {  	s9 =	sor.u32 $0xD0000000, s2;
	s6 =	simm.s32 $0x108;
	_ =	swait.ge @!p0 [sflag:s8], $0x0  }
0x24: {  	s3 =	sadd.s32 $0x88, s3;
	s6 =	simm.s32 @!p1 $0x1082;
	[sflag:s4] =	ssyncset.s32 $0xFFFFF086  }
0x25: {  	[simem:s6], [sflag:s4] =	dma.local [hbm:s3], $0xF7A  }
0x26: {  	[smem:$0x3F98] =	sst s1;
	(tag) =	ssettag s2;
	_ =	strace s9  }
0x27: {  	s1 =	sld [smem:$0x3FA8]  }
0x28: {  	s2 =	sld [smem:$0x3FA9]  }
0x29: {  	s4 =	sld [smem:$0x3FAB]  }
0x2a: {  	p0 =	seq.s32 s5, $0x0;
	s5 =	sld [smem:$0x3FAC]  }
0x2b: {  	s6 =	sld [smem:$0x3FAD]  }
0x2c: {  	s7 =	sld [smem:$0x3FAE]  }
0x2d: {  	s3 =	simm.s32 $0x108;
	s8 =	sld [smem:$0x3FAF]  }
0x2e: {  	s3 =	simm.s32 @!p0 $0x1082;
	s9 =	sld [smem:$0x3FB0]  }
0x2f: {  	lr =	sadd.s32 s0, s3;
	s0 =	sld [smem:$0x3FA7]  }
0x30: {  	s3 =	sld [smem:$0x3FAA]  }
0x31: {  	[smem:$0x3FB3] =	sst s10  }
0x32: {  	s10 =	sld [smem:$0x3FB1];
	_ =	sdelay $0x3  }
0x33: {  	p0 =	seq.s32 s10, $0x1;
	s10 =	sld [smem:$0x3FB3];
	_ =	sdelay $0x3  }
0x34: {  	[smem:$0x3FB3] =	sst s10  }
0x35: {  	s10 =	sld [smem:$0x3FB2];
	_ =	sdelay $0x3  }
0x36: {  	p1 =	seq.s32 s10, $0x1;
	s10 =	sld [smem:$0x3FB3];
	_ =	sdelay $0x3  }
0x37: {  	[smem:$0x3FB3] =	sst s10  }
0x38: {  	s10 =	sld [smem:$0x3FB4]  }
0x39: {  	_ = 	snop;
	(pc) =	sbr.ind lr, $3  }
0x3a: {  	_ = 	snop  }
0x3b: {  	_ = 	snop  }
0x3c: {  	p2 =	seq.s32 s10, $0x1;
	s10 =	sld [smem:$0x3FB3]  }
0x3d: {  	_ =	shalt  }
0x3e: {  	_ =	shalt  }
0x3f: {  	_ =	shalt  }
0x40: {  	_ =	shalt  }
0x41: {  	_ =	shalt  }
0x42: {  	_ =	shalt  }
0x43: {  	_ =	shalt  }
0x44: {  	_ =	shalt  }
0x45: {  	_ =	shalt  }
0x46: {  	_ =	shalt  }
0x47: {  	_ =	shalt  }
0x48: {  	_ =	shalt  }
0x49: {  	_ =	shalt  }
0x4a: {  	_ =	shalt  }
0x4b: {  	_ =	shalt  }
0x4c: {  	_ =	shalt  }
0x4d: {  	_ =	shalt  }
0x4e: {  	_ =	shalt  }
0x4f: {  	_ =	shalt  }
0x50: {  	_ =	shalt  }
0x51: {  	_ =	shalt  }
0x52: {  	_ =	shalt  }
0x53: {  	_ =	shalt  }
0x54: {  	_ =	shalt  }
0x55: {  	_ =	shalt  }
0x56: {  	_ =	shalt  }
0x57: {  	_ =	shalt  }
0x58: {  	_ =	shalt  }
0x59: {  	_ =	shalt  }
0x5a: {  	_ =	shalt  }
0x5b: {  	_ =	shalt  }
0x5c: {  	_ =	shalt  }
0x5d: {  	_ =	shalt  }
0x5e: {  	_ =	shalt  }
0x5f: {  	_ =	shalt  }
0x60: {  	_ =	shalt  }
0x61: {  	_ =	shalt  }
0x62: {  	_ =	shalt  }
0x63: {  	_ =	shalt  }
0x64: {  	_ =	shalt  }
0x65: {  	_ =	shalt  }
0x66: {  	_ =	shalt  }
0x67: {  	_ =	shalt  }
0x68: {  	_ =	shalt  }
0x69: {  	_ =	shalt  }
0x6a: {  	_ =	shalt  }
0x6b: {  	_ =	shalt  }
0x6c: {  	_ =	shalt  }
0x6d: {  	_ =	shalt  }
0x6e: {  	_ =	shalt  }
0x6f: {  	_ =	shalt  }
0x70: {  	_ =	shalt  }
0x71: {  	_ =	shalt  }
0x72: {  	_ =	shalt  }
0x73: {  	_ =	shalt  }
0x74: {  	_ =	shalt  }
0x75: {  	_ =	shalt  }
0x76: {  	_ =	shalt  }
0x77: {  	_ =	shalt  }
0x78: {  	_ =	shalt  }
0x79: {  	_ =	shalt  }
0x7a: {  	_ =	shalt  }
0x7b: {  	_ =	shalt  }
0x7c: {  	_ =	shalt  }
0x7d: {  	_ =	shalt  }
0x7e: {  	_ =	shalt  }
0x7f: {  	_ =	shalt  }
0x80: {  	_ =	shalt  }
0x81: {  	_ =	shalt  }
0x82: {  	_ =	shalt  }
0x83: {  	_ =	shalt  }
0x84: {  	_ =	shalt  }
0x85: {  	_ =	shalt  }
0x86: {  	_ =	shalt  }
0x87: {  	_ =	shalt  }
.Lfunc_end0:
.L_simem_size_0:
called_computation_lowered:
.L_overlay_start_0:
0x88: {  	s2 =	sld [smem:$0x3FD9]  }
0x89: {  	s3 =	sld [smem:$0x3FFE];
	_ =	sdelay $0x1  }
0x8a: {  	s1 =	srdreg.scid  }
0x8b: {  	s0 =	sand.u32 $0x1, s1  }
0x8c: {  	s16 =	sshll.u32 s0, $0xA;
	s2 =	sadd.s32 s3, s2  }
0x8d: {  	s2 =	sadd.s32 s2, s16  }
0x8e: {  	[smem:$0x3FBF] =	sst s2  }
0x8f: {  	_ = 	snop  }
0x90: {  	(tm) =	ssettm $0x1  }
0x91: {  	s17 =	sld [smem:$0x3FFB];
	_ =	sdelay $0x3  }
0x92: {  	_ =	strace s17  }
0x93: {  	s2 =	sld [smem:$0x3FFC];
	_ =	sdelay $0x3  }
0x94: {  	_ =	strace s2  }
0x95: {  	s2 =	sld [smem:$0x3FFD];
	_ =	sdelay $0x3  }
0x96: {  	_ =	strace s2  }
0x97: {  	_ =	strace $0x8FFFFFFF  }
0x98: {  	s18 =	sld [smem:$0x3FDB];
	_ =	sdelay $0x1  }
0x99: {  	s19 =	simm.s32 $_scs_section_size  }
0x9a: {  	s4 =	simm.s32 $_size__tile_overlayer_lowered;
	s5 =	simm.s32 $_tile_overlayer_lowered  }
0x9b: {  	s22 =	simm.s32 $0x1BFF;
	s21 =	sshll.u32 s5, $0x1;
	s2 =	sadd.s32 s19, s18  }
0x9c: {  	s6 =	simm.s32 $0x0;
	s20 =	sshll.u32 s4, $0x1;
	s4 =	sadd.s32 s21, s2  }
0x9d: {  	[timem:s6], [sflag:s22] =	dma.local [hbm:s4], s20  }
0x9e: {  	_ =	swait.ge [sflag:s22], s20  }
0x9f: {  	s3 =	ssub.s32 $0x0, s20;
	[sflag:s22] =	ssyncset.done $0x0  }
0xa0: {  	[sflag:s22] =	ssyncadd.s32 s3;
	_ =	sdelay $0x1  }
0xa1: {  	s23 =	simm.s32 $0x1B8B  }
0xa2: {  	_ =	swait.ge [sflag:s23], $0x1  }
0xa3: {  	[sflag:s23] =	ssyncset.done $0x0  }
0xa4: {  	s25 =	simm.s32 $0x1B8E;
	s24 =	sld [smem:$0x3FFE];
	[sflag:s23] =	ssyncadd.s32 $0xFFFFFFFF  }
0xa5: {  	s26 =	simm.s32 $execute0_lowered;
	[smem:$0x3FD2] =	sst s25  }
0xa6: {  	s4 =	sshll.u32 s26, $0x1;
	_ =	strace $0x80000046;
	[dreg:$0x1] =	wrdreg $0xFFFFFFFF  }
0xa7: {  	s28 =	simm.s32 $_size_execute0_lowered;
	s2 =	sadd.s32 s2, s4;
	[dreg:$0x0] =	wrdreg $0x0  }
0xa8: {  	s4 =	sshll.u32 s28, $0x1;
	[dreg:$0x2] =	wrdreg s2  }
0xa9: {  	[dreg:$0x3] =	wrdreg s4  }
0xaa: {  	[dreg:$0x4] =	wrdreg $0xC0  }
0xab: {  	_ =	task [dreg:s6], $0x5FFFF  }
0xac: {  	[dreg:$0x1] =	wrdreg $0xFFFFFFFF  }
0xad: {  	[dreg:$0x0] =	wrdreg $0x60  }
0xae: {  	[dreg:$0x2] =	wrdreg s24  }
0xaf: {  	[dreg:$0x3] =	wrdreg $0x13E000  }
0xb0: {  	[dreg:$0x4] =	wrdreg $0x18D000  }
0xb1: {  	[dreg:$0x5] =	wrdreg $0x9  }
0xb2: {  	_ =	task.clear_ibuf [dreg:s6], $0x6FFFF;
	_ =	strace $0x90000046  }
0xb3: {  	s29 =	simm.s32 $0x9;
	_ =	strace $0x80000048  }
0xb4: {  	_ =	swait.ge [sflag:s29], $0x1  }
0xb5: {  	[sflag:s29] =	ssyncadd.s32 $0xFFFFFFFF  }
0xb6: {  	_ =	strace $0x90000048  }
0xb7: {  	_ =	sfence  }
0xb8: {  	s30 =	sld [smem:$0x0];
	_ =	sdelay $0x2  }
0xb9: {  	s31 =	sshll.u32 s1, $0xD;
	s1 =	sshrl.u32 s1, $0x2  }
0xba: {  	s3 =	sand.u32 $0x4000, s31;
	s1 =	sadd.s32 s1, s30  }
0xbb: {  	s0 =	sor.u32 s3, s0;
	s1 =	sshll.u32 s1, $0x11  }
0xbc: {  	s0 =	sor.u32 s1, s0  }
0xbd: {  	s0 =	sadd.s32 $0x8F2B, s0  }
0xbe: {  	[sflag:s0] =	ssyncadd.remote.s32 $0x1  }
0xbf: {  	_ =	sfence.sel $0xFFFF  }
0xc0: {  	[dreg:$0x0] =	wrdreg $0xFFFFFFFF;
	(pc) =	sbr.abs _section_cstart, $3  }
0xc1: {  	[dreg:$0x1] =	wrdreg $0xFFFFFFFF  }
0xc2: {  	_ =	task.clear_ibuf [dreg:s6], $0x2FFFF;
	_ =	strace $0x9FFFFFFF  }
0xc3: {  	(tm) =	ssettm $0x7FFFFFFF  }
tec
execute0_lowered:
.L_overlay_start_1:
0x0: {  	(tag) =	ssettag $0x1  }
0x1: {  	s5 =	rddreg [dreg:$0x0]  }
0x2: {  	s0 =	srdreg.scid;
	s2 =	rddreg [dreg:$0x1]  }
0x3: {  	s10 =	stileid.u32;
	s3 =	rddreg [dreg:$0x2];
	s4 =	simm.s32 $0x0  }
0x4: {  	s15 =	simm.s32 $0xA000;
	s16 =	simm.s32 $0xEF00;
	s18 =	simm.s32 $0x1  }
0x5: {  	s28 =	simm.s32 $0x180;
	s29 =	simm.s32 $0x8000;
	s30 =	simm.s32 $0x200  }
0x6: {  	s31 =	simm.s32 $0x9000;
	s17 =	simm.s32 $0x7;
	s6 =	smul.u32 $0x4F00, s10  }
0x7: {  	s0 =	sand.u32 $0x1, s0;
	s7 =	smul.u32 $0x278, s10;
	[smem:$0x7FF] =	sst s4  }
0x8: {  	s1 =	sshll.u32 s0, $0x4;
	s8 =	smul.u32 $0x2780, s0;
	_ =	strace $0x80000047  }
0x9: {  	s0 =	ssub.s32 $0x2, s0;
	s1 =	sor.u32 s10, s1;
	s9 =	sshrl.u32 s6, $0x3  }
0xa: {  	s19 =	sshrl.u32 s0, $0x1;
	s10 =	smul.u32 $0x13C00, s10;
	s24 =	sadd.s32 s6, s2  }
0xb: {  	s1 =	smul.u32 $0x500, s1;
	s9 =	sadd.s32 s9, s5;
	s7 =	sadd.s32 s7, s8  }
0xc: {  	s0 =	ssub.s32 s0, s19;
	[dreg:$0x8] =	wrdreg s24;
	s19 =	simm.s32 $0x2  }
0xd: {  	s24 =	simm.s32 $0x6000;
	s8 =	simm.s32 $0x0;
	s7 =	sshll.u32 s7, $0x2  }
0xe: {  	s20 =	sadd.s32 $0x15600, s9;
	s21 =	sadd.s32 $0x1F400, s9;
	s23 =	sshrl.u32 s10, $0x2  }
0xf: {  	s10 =	sadd.s32 s6, s3;
	s14 =	smax.u32 s0, $0x1;
	s0 =	simm.s32 $0x6  }
0x10: {  	s6 =	simm.s32 $0x9;
	s1 =	sadd.s32 s1, s5;
	[dreg:$0x4] =	wrdreg s20  }
0x11: {  	s5 =	sadd.s32 s7, s5;
	[dreg:$0x5] =	wrdreg s21;
	s25 =	sadd.s32 s23, s3  }
0x12: {  	s20 =	simm.s32 $0x3;
	s21 =	simm.s32 $0x4;
	s23 =	simm.s32 $0x5000  }
0x13: {  	s7 =	simm.s32 $0xA;
	s22 =	sadd.s32 $0x1600, s1;
	s1 =	sadd.s32 $0xB600, s1  }
0x14: {  	s26 =	sadd.s32 $0x29200, s5;
	s13 =	sadd.s32 $0x296F0, s5;
	[dreg:$0x6] =	wrdreg s22  }
0x15: {  	s5 =	simm.s32 $0x8;
	[dreg:$0x7] =	wrdreg s1;
	s1 =	sadd.s32 $0x2780, s25  }
0x16: {  	[dreg:$0xa] =	wrdreg s26;
	s22 =	simm.s32 $0x80;
	s25 =	simm.s32 $0x100  }
0x17: {  	s26 =	simm.s32 $0x7000;
	[dreg:$0x9] =	wrdreg s1;
	s1 =	simm.s32 $0x5  }
.LBB2_1:
0x18: {  	s9 =	rddreg [dreg:$0x4]  }
0x19: {  	[tilespmem:s15], [sflag:$0x1] =	stream.linear.gather [hbm4b:s9+s4], $0x4F00, $0x38;
	[tilespmem:$0x1DC00] =	vst v63  }
0x1a: {  	s12 =	rddreg [dreg:$0x5]  }
0x1b: {  	[tilespmem:s16], [sflag:$0x2] =	stream.linear.gather [hbm4b:s12+s4], $0x4F00, $0x38;
	[tilespmem:$0x1DC00] =	vst v63  }
0x1c: {  	s11 =	rddreg [dreg:$0x6]  }
0x1d: {  	[tilespmem:s4], [sflag:$0x3] =	stream.linear.gather [hbm4b:s11+s4], $0x2800, $0x38;
	[tilespmem:$0x1DC00] =	vst v63  }
0x1e: {  	s12 =	rddreg [dreg:$0x7];
	s11 =	simm.s32 $0x2800  }
0x1f: {  	[tilespmem:s11], [sflag:$0x4] =	stream.linear.gather [hbm4b:s12+s4], $0x2800, $0x38;
	[tilespmem:$0x1DC00] =	vst v63  }
0x20: {  	_ =	swait.ge [sflag:s18], $0x4F00  }
0x21: {  	[sflag:s18] =	ssyncset.done $0x0  }
0x22: {  	s11 =	rddreg [dreg:$0x8];
	[sflag:s18] =	ssyncadd.s32 $0xFFFFB100  }
0x23: {  	[spmem:s11] =	stream.linear.scatter [tilespmem:s15], [sflag:$0x1], $0x4F00, $0x38;
	[tilespmem:$0x1DC00] =	vst v63  }
0x24: {  	_ =	swait.ge [sflag:s19], $0x4F00  }
0x25: {  	[sflag:s19] =	ssyncset.done $0x0  }
0x26: {  	[sflag:s19] =	ssyncadd.s32 $0xFFFFB100  }
0x27: {  	[spmem:s10] =	stream.linear.scatter [tilespmem:s16], [sflag:$0x2], $0x4F00, $0x38;
	[tilespmem:$0x1DC00] =	vst v63  }
0x28: {  	_ =	swait.ge [sflag:s20], $0x2800  }
0x29: {  	[sflag:s20] =	ssyncset.done $0x0  }
0x2a: {  	[sflag:s20] =	ssyncadd.s32 $0xFFFFD800  }
0x2b: {  	_ =	swait.ge [sflag:s21], $0x2800  }
0x2c: {  	[sflag:s21] =	ssyncset.done $0x0  }
0x2d: {  	[sflag:s21] =	ssyncadd.s32 $0xFFFFD800  }
0x2e: {  	_ =	swait.ge [sflag:s18], $0x4F00  }
0x2f: {  	[sflag:s18] =	ssyncset.done $0x0  }
0x30: {  	[sflag:s18] =	ssyncadd.s32 $0xFFFFB100  }
0x31: {  	_ =	swait.ge [sflag:s19], $0x4F00  }
0x32: {  	[sflag:s19] =	ssyncset.done $0x0  }
0x33: {  	[sflag:s19] =	ssyncadd.s32 $0xFFFFB100  }
0x34: {  	[bflag:$0x0] =	sbarrier.arrive $0xFFFF  }
0x35: {  	[tilespmem:s23], [sflag:$0x1] =	stream.indirect.gather [spmem:s2], $0x20, s4, s22, $0xb8;
	[tilespmem:$0x1DC00] =	vst v63  }
0x36: {  	_ = 	snop  }
0x37: {  	[tilespmem:s24], [sflag:$0x2] =	stream.indirect.gather [spmem:s2], $0x20, s22, s22, $0xb8;
	[tilespmem:$0x1DC00] =	vst v63  }
0x38: {  	_ = 	snop  }
0x39: {  	[tilespmem:s26], [sflag:$0x3] =	stream.indirect.gather [spmem:s2], $0x20, s25, s22, $0xb8;
	[tilespmem:$0x1DC00] =	vst v63  }
0x3a: {  	_ = 	snop  }
0x3b: {  	[tilespmem:s29], [sflag:$0x4] =	stream.indirect.gather [spmem:s2], $0x20, s28, s22, $0xb8;
	[tilespmem:$0x1DC00] =	vst v63  }
0x3c: {  	_ = 	snop  }
0x3d: {  	[tilespmem:s31], [sflag:$0x5] =	stream.indirect.gather [spmem:s2], $0x20, s30, s22, $0xb8;
	[tilespmem:$0x1DC00] =	vst v63  }
0x3e: {  	_ =	swait.ge [sflag:s18], $0x1000  }
0x3f: {  	[sflag:s18] =	ssyncset.done $0x0  }
0x40: {  	s12 =	simm.s32 $0x2800;
	[sflag:s18] =	ssyncadd.s32 $0xFFFFF000  }
0x41: {  	[spmem:s3] =	stream.indirect.scatter.add.f32 [tilespmem:s23], [sflag:$0x6], $0x20, s12, s22, $0xb8;
	[tilespmem:$0x1DC00] =	vst v63  }
0x42: {  	_ =	swait.ge [sflag:s19], $0x1000  }
0x43: {  	[sflag:s19] =	ssyncset.done $0x0  }
0x44: {  	s11 =	simm.s32 $0x2880;
	[sflag:s19] =	ssyncadd.s32 $0xFFFFF000  }
0x45: {  	[spmem:s3] =	stream.indirect.scatter.add.f32 [tilespmem:s24], [sflag:$0x7], $0x20, s11, s22, $0xb8;
	[tilespmem:$0x1DC00] =	vst v63  }
0x46: {  	_ =	swait.ge [sflag:s20], $0x1000  }
0x47: {  	[sflag:s20] =	ssyncset.done $0x0  }
0x48: {  	s12 =	simm.s32 $0x2900;
	[sflag:s20] =	ssyncadd.s32 $0xFFFFF000  }
0x49: {  	[spmem:s3] =	stream.indirect.scatter.add.f32 [tilespmem:s26], [sflag:$0x8], $0x20, s12, s22, $0xb8;
	[tilespmem:$0x1DC00] =	vst v63  }
0x4a: {  	_ =	swait.ge [sflag:s21], $0x1000  }
0x4b: {  	[sflag:s21] =	ssyncset.done $0x0  }
0x4c: {  	s11 =	simm.s32 $0x2980;
	[sflag:s21] =	ssyncadd.s32 $0xFFFFF000  }
0x4d: {  	[spmem:s3] =	stream.indirect.scatter.add.f32 [tilespmem:s29], [sflag:$0x9], $0x20, s11, s22, $0xb8;
	[tilespmem:$0x1DC00] =	vst v63  }
0x4e: {  	_ =	swait.ge [sflag:s1], $0x1000  }
0x4f: {  	[sflag:s1] =	ssyncset.done $0x0  }
0x50: {  	s12 =	simm.s32 $0x2A00;
	[sflag:s1] =	ssyncadd.s32 $0xFFFFF000  }
0x51: {  	[spmem:s3] =	stream.indirect.scatter.add.f32 [tilespmem:s31], [sflag:$0xA], $0x20, s12, s22, $0xb8;
	[tilespmem:$0x1DC00] =	vst v63  }
0x52: {  	_ =	swait.ge [sflag:s0], $0x1000  }
0x53: {  	[sflag:s0] =	ssyncset.done $0x0  }
0x54: {  	s11 =	simm.s32 $0x280;
	[sflag:s0] =	ssyncadd.s32 $0xFFFFF000  }
0x55: {  	[tilespmem:s23], [sflag:$0x1] =	stream.indirect.gather [spmem:s2], $0x20, s11, s22, $0xb8;
	[tilespmem:$0x1DC00] =	vst v63  }
0x56: {  	_ =	swait.ge [sflag:s17], $0x1000  }
0x57: {  	[sflag:s17] =	ssyncset.done $0x0  }
0x58: {  	s12 =	simm.s32 $0x300;
	[sflag:s17] =	ssyncadd.s32 $0xFFFFF000  }
0x59: {  	[tilespmem:s24], [sflag:$0x2] =	stream.indirect.gather [spmem:s2], $0x20, s12, s22, $0xb8;
	[tilespmem:$0x1DC00] =	vst v63  }
0x5a: {  	_ =	swait.ge [sflag:s5], $0x1000  }
0x5b: {  	[sflag:s5] =	ssyncset.done $0x0  }
0x5c: {  	s11 =	simm.s32 $0x380;
	[sflag:s5] =	ssyncadd.s32 $0xFFFFF000  }
0x5d: {  	[tilespmem:s26], [sflag:$0x3] =	stream.indirect.gather [spmem:s2], $0x20, s11, s22, $0xb8;
	[tilespmem:$0x1DC00] =	vst v63  }
0x5e: {  	_ =	swait.ge [sflag:s6], $0x1000  }
0x5f: {  	[sflag:s6] =	ssyncset.done $0x0  }
0x60: {  	s12 =	simm.s32 $0x400;
	[sflag:s6] =	ssyncadd.s32 $0xFFFFF000  }
0x61: {  	[tilespmem:s29], [sflag:$0x4] =	stream.indirect.gather [spmem:s2], $0x20, s12, s22, $0xb8;
	[tilespmem:$0x1DC00] =	vst v63  }
0x62: {  	_ =	swait.ge [sflag:s7], $0x1000  }
0x63: {  	[sflag:s7] =	ssyncset.done $0x0  }
0x64: {  	s9 =	simm.s32 $0xA00;
	s11 =	simm.s32 $0x480;
	[sflag:s7] =	ssyncadd.s32 $0xFFFFF000  }
.LBB2_2:
0x65: {  	[tilespmem:s31], [sflag:$0x5] =	stream.indirect.gather [spmem:s2], $0x20, s11, s22, $0xb8;
	[tilespmem:$0x1DC00] =	vst v63  }
0x66: {  	s11 =	smov.u32 s9  }
0x67: {  	p0 =	sne.s32 s9, $0x8C00;
	s9 =	sadd.s32 $0xA00, s9;
	_ =	swait.ge [sflag:s18], $0x1000  }
0x68: {  	s11 =	sshra.s32 s11, $0x2;
	[sflag:s18] =	ssyncset.done $0x0  }
0x69: {  	s12 =	sadd.s32 $0x2800, s11;
	[sflag:s18] =	ssyncadd.s32 $0xFFFFF000  }
0x6a: {  	[spmem:s3] =	stream.indirect.scatter.add.f32 [tilespmem:s23], [sflag:$0x6], $0x20, s12, s22, $0xb8;
	[tilespmem:$0x1DC00] =	vst v63  }
0x6b: {  	_ =	swait.ge [sflag:s19], $0x1000  }
0x6c: {  	[sflag:s19] =	ssyncset.done $0x0  }
0x6d: {  	s12 =	sadd.s32 $0x2880, s11;
	[sflag:s19] =	ssyncadd.s32 $0xFFFFF000  }
0x6e: {  	[spmem:s3] =	stream.indirect.scatter.add.f32 [tilespmem:s24], [sflag:$0x7], $0x20, s12, s22, $0xb8;
	[tilespmem:$0x1DC00] =	vst v63  }
0x6f: {  	_ =	swait.ge [sflag:s20], $0x1000  }
0x70: {  	[sflag:s20] =	ssyncset.done $0x0  }
0x71: {  	s12 =	sadd.s32 $0x2900, s11;
	[sflag:s20] =	ssyncadd.s32 $0xFFFFF000  }
0x72: {  	[spmem:s3] =	stream.indirect.scatter.add.f32 [tilespmem:s26], [sflag:$0x8], $0x20, s12, s22, $0xb8;
	[tilespmem:$0x1DC00] =	vst v63  }
0x73: {  	_ =	swait.ge [sflag:s21], $0x1000  }
0x74: {  	[sflag:s21] =	ssyncset.done $0x0  }
0x75: {  	s12 =	sadd.s32 $0x2980, s11;
	[sflag:s21] =	ssyncadd.s32 $0xFFFFF000  }
0x76: {  	[spmem:s3] =	stream.indirect.scatter.add.f32 [tilespmem:s29], [sflag:$0x9], $0x20, s12, s22, $0xb8;
	[tilespmem:$0x1DC00] =	vst v63  }
0x77: {  	_ =	swait.ge [sflag:s1], $0x1000  }
0x78: {  	[sflag:s1] =	ssyncset.done $0x0  }
0x79: {  	s12 =	sadd.s32 $0x2A00, s11;
	[sflag:s1] =	ssyncadd.s32 $0xFFFFF000  }
0x7a: {  	[spmem:s3] =	stream.indirect.scatter.add.f32 [tilespmem:s31], [sflag:$0xA], $0x20, s12, s22, $0xb8;
	[tilespmem:$0x1DC00] =	vst v63  }
0x7b: {  	_ =	swait.ge [sflag:s0], $0x1000  }
0x7c: {  	[sflag:s0] =	ssyncset.done $0x0  }
0x7d: {  	s12 =	sadd.s32 $0x280, s11;
	[sflag:s0] =	ssyncadd.s32 $0xFFFFF000  }
0x7e: {  	[tilespmem:s23], [sflag:$0x1] =	stream.indirect.gather [spmem:s2], $0x20, s12, s22, $0xb8;
	[tilespmem:$0x1DC00] =	vst v63  }
0x7f: {  	_ =	swait.ge [sflag:s17], $0x1000  }
0x80: {  	[sflag:s17] =	ssyncset.done $0x0  }
0x81: {  	s12 =	sadd.s32 $0x300, s11;
	[sflag:s17] =	ssyncadd.s32 $0xFFFFF000  }
0x82: {  	[tilespmem:s24], [sflag:$0x2] =	stream.indirect.gather [spmem:s2], $0x20, s12, s22, $0xb8;
	[tilespmem:$0x1DC00] =	vst v63  }
0x83: {  	_ =	swait.ge [sflag:s5], $0x1000  }
0x84: {  	[sflag:s5] =	ssyncset.done $0x0  }
0x85: {  	s12 =	sadd.s32 $0x380, s11;
	[sflag:s5] =	ssyncadd.s32 $0xFFFFF000  }
0x86: {  	[tilespmem:s26], [sflag:$0x3] =	stream.indirect.gather [spmem:s2], $0x20, s12, s22, $0xb8;
	[tilespmem:$0x1DC00] =	vst v63  }
0x87: {  	_ =	swait.ge [sflag:s6], $0x1000  }
0x88: {  	[sflag:s6] =	ssyncset.done $0x0  }
.Ltmp0:
0x89: {  	s12 =	sadd.s32 $0x400, s11;
	[sflag:s6] =	ssyncadd.s32 $0xFFFFF000;
	(pc) =	sbr.rel @p0 .LBB2_2-.Ltmp0, $4  }
0x8a: {  	[tilespmem:s29], [sflag:$0x4] =	stream.indirect.gather [spmem:s2], $0x20, s12, s22, $0xb8;
	[tilespmem:$0x1DC00] =	vst v63  }
0x8b: {  	_ =	swait.ge [sflag:s7], $0x1000  }
0x8c: {  	[sflag:s7] =	ssyncset.done $0x0  }
0x8d: {  	s11 =	sadd.s32 $0x480, s11;
	[sflag:s7] =	ssyncadd.s32 $0xFFFFF000  }
0x8e: {  	[tilespmem:s31], [sflag:$0x5] =	stream.indirect.gather [spmem:s2], $0x20, s11, s22, $0xb8;
	[tilespmem:$0x1DC00] =	vst v63  }
0x8f: {  	_ =	swait.ge [sflag:s18], $0x1000  }
0x90: {  	[sflag:s18] =	ssyncset.done $0x0  }
0x91: {  	s9 =	simm.s32 $0x4D80;
	[sflag:s18] =	ssyncadd.s32 $0xFFFFF000  }
0x92: {  	[spmem:s3] =	stream.indirect.scatter.add.f32 [tilespmem:s23], [sflag:$0x6], $0x20, s9, s22, $0xb8;
	[tilespmem:$0x1DC00] =	vst v63  }
0x93: {  	_ =	swait.ge [sflag:s19], $0x1000  }
0x94: {  	[sflag:s19] =	ssyncset.done $0x0  }
0x95: {  	s11 =	simm.s32 $0x4E00;
	[sflag:s19] =	ssyncadd.s32 $0xFFFFF000  }
0x96: {  	[spmem:s3] =	stream.indirect.scatter.add.f32 [tilespmem:s24], [sflag:$0x7], $0x20, s11, s22, $0xb8;
	[tilespmem:$0x1DC00] =	vst v63  }
0x97: {  	_ =	swait.ge [sflag:s20], $0x1000  }
0x98: {  	[sflag:s20] =	ssyncset.done $0x0  }
0x99: {  	s12 =	simm.s32 $0x4E80;
	[sflag:s20] =	ssyncadd.s32 $0xFFFFF000  }
0x9a: {  	[spmem:s3] =	stream.indirect.scatter.add.f32 [tilespmem:s26], [sflag:$0x8], $0x20, s12, s22, $0xb8;
	[tilespmem:$0x1DC00] =	vst v63  }
0x9b: {  	_ =	swait.ge [sflag:s21], $0x1000  }
0x9c: {  	[sflag:s21] =	ssyncset.done $0x0  }
0x9d: {  	s11 =	simm.s32 $0x4F00;
	[sflag:s21] =	ssyncadd.s32 $0xFFFFF000  }
0x9e: {  	[spmem:s3] =	stream.indirect.scatter.add.f32 [tilespmem:s29], [sflag:$0x9], $0x20, s11, s22, $0xb8;
	[tilespmem:$0x1DC00] =	vst v63  }
0x9f: {  	_ =	swait.ge [sflag:s1], $0x1000  }
0xa0: {  	[sflag:s1] =	ssyncset.done $0x0  }
0xa1: {  	s12 =	simm.s32 $0x4F80;
	[sflag:s1] =	ssyncadd.s32 $0xFFFFF000  }
0xa2: {  	[spmem:s3] =	stream.indirect.scatter.add.f32 [tilespmem:s31], [sflag:$0xA], $0x20, s12, s22, $0xb8;
	[tilespmem:$0x1DC00] =	vst v63  }
0xa3: {  	_ =	swait.ge [sflag:s0], $0x1000  }
0xa4: {  	[sflag:s0] =	ssyncset.done $0x0  }
0xa5: {  	[sflag:s0] =	ssyncadd.s32 $0xFFFFF000  }
0xa6: {  	[tilespmem:s23], [sflag:$0x1] =	stream.indirect.gather [spmem:s2], $0x20, s4, s22, $0xb8;
	[tilespmem:$0x1DC00] =	vst v63  }
0xa7: {  	_ =	swait.ge [sflag:s17], $0x1000  }
0xa8: {  	[sflag:s17] =	ssyncset.done $0x0  }
0xa9: {  	[sflag:s17] =	ssyncadd.s32 $0xFFFFF000  }
0xaa: {  	[tilespmem:s24], [sflag:$0x2] =	stream.indirect.gather [spmem:s2], $0x20, s22, s22, $0xb8;
	[tilespmem:$0x1DC00] =	vst v63  }
0xab: {  	_ =	swait.ge [sflag:s5], $0x1000  }
0xac: {  	[sflag:s5] =	ssyncset.done $0x0  }
0xad: {  	[sflag:s5] =	ssyncadd.s32 $0xFFFFF000  }
0xae: {  	[tilespmem:s26], [sflag:$0x3] =	stream.indirect.gather [spmem:s2], $0x20, s25, s22, $0xb8;
	[tilespmem:$0x1DC00] =	vst v63  }
0xaf: {  	_ =	swait.ge [sflag:s6], $0x1000  }
0xb0: {  	[sflag:s6] =	ssyncset.done $0x0  }
0xb1: {  	[sflag:s6] =	ssyncadd.s32 $0xFFFFF000  }
0xb2: {  	[tilespmem:s29], [sflag:$0x4] =	stream.indirect.gather [spmem:s2], $0x20, s28, s22, $0xb8;
	[tilespmem:$0x1DC00] =	vst v63  }
0xb3: {  	_ =	swait.ge [sflag:s7], $0x1000  }
0xb4: {  	[sflag:s7] =	ssyncset.done $0x0  }
0xb5: {  	[sflag:s7] =	ssyncadd.s32 $0xFFFFF000  }
0xb6: {  	[tilespmem:s31], [sflag:$0x5] =	stream.indirect.gather [spmem:s2], $0x20, s30, s22, $0xb8;
	[tilespmem:$0x1DC00] =	vst v63  }
0xb7: {  	_ =	swait.ge [sflag:s18], $0x1000  }
0xb8: {  	[sflag:s18] =	ssyncset.done $0x0  }
0xb9: {  	[sflag:s18] =	ssyncadd.s32 $0xFFFFF000  }
0xba: {  	_ =	swait.ge [sflag:s19], $0x1000  }
0xbb: {  	[sflag:s19] =	ssyncset.done $0x0  }
0xbc: {  	[sflag:s19] =	ssyncadd.s32 $0xFFFFF000  }
0xbd: {  	_ =	swait.ge [sflag:s20], $0x1000  }
0xbe: {  	[sflag:s20] =	ssyncset.done $0x0  }
0xbf: {  	[sflag:s20] =	ssyncadd.s32 $0xFFFFF000  }
0xc0: {  	_ =	swait.ge [sflag:s21], $0x1000  }
0xc1: {  	[sflag:s21] =	ssyncset.done $0x0  }
0xc2: {  	[sflag:s21] =	ssyncadd.s32 $0xFFFFF000  }
0xc3: {  	_ =	swait.ge [sflag:s1], $0x1000  }
0xc4: {  	[sflag:s1] =	ssyncset.done $0x0  }
0xc5: {  	[sflag:s1] =	ssyncadd.s32 $0xFFFFF000  }
0xc6: {  	[bflag:$0x0] =	sbarrier.arrive $0xFFFF  }
0xc7: {  	[tilespmem:s15], [sflag:$0x1] =	stream.linear.gather [spmem:s10], $0x2780, $0x38;
	[tilespmem:$0x1DC00] =	vst v63  }
0xc8: {  	s11 =	rddreg [dreg:$0x9]  }
0xc9: {  	[tilespmem:s16], [sflag:$0x2] =	stream.linear.gather [spmem:s11], $0x2780, $0x38;
	[tilespmem:$0x1DC00] =	vst v63  }
0xca: {  	_ =	swait.ge [sflag:s18], $0x2780  }
0xcb: {  	[sflag:s18] =	ssyncset.done $0x0  }
0xcc: {  	s12 =	rddreg [dreg:$0xa];
	[sflag:s18] =	ssyncadd.s32 $0xFFFFD880  }
0xcd: {  	[hbm4b:s12+s4] =	stream.linear.scatter [tilespmem:s15], [sflag:$0x1], $0x2780, $0x38;
	[tilespmem:$0x1DC00] =	vst v63  }
0xce: {  	_ =	swait.ge [sflag:s19], $0x2780  }
0xcf: {  	[sflag:s19] =	ssyncset.done $0x0  }
0xd0: {  	s8 =	sadd.s32 $0x1, s8;
	[sflag:s19] =	ssyncadd.s32 $0xFFFFD880  }
0xd1: {  	[hbm4b:s13+s4] =	stream.linear.scatter [tilespmem:s16], [sflag:$0x2], $0x2780, $0x38;
	[tilespmem:$0x1DC00] =	vst v63  }
0xd2: {  	p0 =	sne.s32 s8, s14;
	_ =	swait.ge [sflag:s18], $0x2780  }
.Ltmp1:
0xd3: {  	[sflag:s18] =	ssyncset.done $0x0;
	(pc) =	sbr.rel @p0 .LBB2_1-.Ltmp1, $4  }
0xd4: {  	[sflag:s18] =	ssyncadd.s32 $0xFFFFD880  }
0xd5: {  	_ =	swait.ge [sflag:s19], $0x2780  }
0xd6: {  	[sflag:s19] =	ssyncset.done $0x0  }
0xd7: {  	[sflag:s19] =	ssyncadd.s32 $0xFFFFD880  }
0xd8: {  	_ =	sfence.sel $0x180000  }
0xd9: {  	[bflag:$0x0] =	sbarrier.arrive $0xFFFF  }
0xda: {  	_ =	strace $0x90000047  }
0xdb: {  	s0 =	stileid.u32;
	[bflag:$0x2] =	sbarrier.arrive $0xFFFF  }
0xdc: {  	p0 =	sne.s32 s0, $0x0;
	s0 =	rddreg [dreg:$0x3]  }
0xdd: {  	s0 =	sadd.s32 @!p0 $0x100000, s0  }
0xde: {  	[sflag:s0] =	ssyncadd.tile.s32 @!p0 $0x1;
	_ =	shalt  }
.Lfunc_end2:
_tile_overlayer_lowered:
.L_overlay_start_2:
0xdf: {  	(tag) =	ssettag $0x2  }
0xe0: {  	s0 =	rddreg [dreg:$0x0];
	s2 =	stileid.u32  }
0xe1: {  	s1 =	rddreg [dreg:$0x1];
	p0 =	sne.s32 s2, $0x0  }
0xe2: {  	s3 =	rddreg [dreg:$0x2];
	[bflag:$0x3] =	sbarrier.arrive $0xFFFF;
	s2 =	simm.s32 @!p0 $0x1C0B  }
0xe3: {  	[timem:s3], [sflag:s2] =	dma.local @!p0 [hbm:s0], s1  }
0xe4: {  	s0 =	simm.s32 @!p0 $0xB  }
0xe5: {  	_ =	swait.ge @!p0 [sflag:s0], s1  }
0xe6: {  	s1 =	ssub.s32 @!p0 $0x0, s1;
	[sflag:s0] =	ssyncset.done @!p0 $0x0  }
0xe7: {  	[sflag:s0] =	ssyncadd.s32 @!p0 s1  }
0xe8: {  	[bflag:$0x3] =	sbarrier.arrive $0xFFFF  }
0xe9: {  	_ =	shalt  }

</sc_bundles>
